<compile_context>
chip_gen: v7x
topology: tpu7x:2x2x1
jax: 0.10.2.dev20260603
libtpu: 0.0.44.dev20260713+nightly
codegen_flags: <defaults>
</compile_context>

<pallas_src>
import functools

import jax
import jax.numpy as jnp
from jax import lax
from jax.experimental import pallas as pl
from jax.experimental.pallas import tpu as pltpu
from jax.experimental.pallas import tpu_sc as plsc

T = 2048
D = 768
F = 2048
E = 8
EP = 128
TILE = 128
NTILES = T // TILE + E - 1
RS = NTILES * TILE
NC, NS = 2, 16
NW = NC * NS
RPW = T // NW

_F32 = jnp.float32
_I32 = jnp.int32


def _route_body(x_ref, wg_ref, slot_ref, srow_ref, te_ref):
    x = x_ref[...]
    wg = wg_ref[...]
    logits = jnp.dot(x, wg, preferred_element_type=_F32)
    lane = lax.broadcasted_iota(_I32, (T, EP), 1)
    logits = jnp.where(lane < E, logits, _F32(-1e30))
    m = jnp.max(logits, axis=1, keepdims=True)
    eid = jnp.min(jnp.where(logits >= m, lane, EP), axis=1, keepdims=True)
    oh = (lane == eid).astype(_F32)

    counts = jnp.sum(oh, axis=0, keepdims=True)
    nt = jnp.floor((counts + _F32(TILE - 1)) / _F32(TILE))
    r = lax.broadcasted_iota(_I32, (EP, EP), 0)
    c = lax.broadcasted_iota(_I32, (EP, EP), 1)
    incl = (r <= c).astype(_F32)
    ct = jnp.dot(nt, incl, preferred_element_type=_F32)
    p = _F32(TILE) * (ct - nt)

    rr = lax.broadcasted_iota(_I32, (T, T), 0)
    cc = lax.broadcasted_iota(_I32, (T, T), 1)
    tri = (cc <= rr).astype(_F32)
    cum = jnp.dot(tri, oh, preferred_element_type=_F32)
    slot = jnp.sum(oh * (cum - _F32(1.0) + p), axis=1, keepdims=True)
    slot_ref[...] = slot.astype(_I32)
    srow_ref[...] = slot.astype(_I32).reshape(1, T)

    jrow = lax.broadcasted_iota(_I32, (EP, EP), 0).astype(_F32)
    owns = jnp.where(c < E, (jrow >= ct).astype(_F32), _F32(0.0))
    te = jnp.minimum(jnp.sum(owns, axis=1, keepdims=True), _F32(E - 1))
    te_ref[...] = te.astype(_I32)


_route = pl.pallas_call(
    _route_body,
    out_shape=[
        jax.ShapeDtypeStruct((T, 1), _I32),
        jax.ShapeDtypeStruct((1, T), _I32),
        jax.ShapeDtypeStruct((EP, 1), _I32),
    ],
    compiler_params=pltpu.CompilerParams(
        vmem_limit_bytes=110 * 1024 * 1024),
)


_NBUF = 4
_LOOK = 8
_NCH = 4


_BF16 = jnp.bfloat16


def _ffn_body(te_ref, srow_ref, x_ref, wu_hbm, wd_hbm, ys_ref,
              wu_buf, wd_buf, xb, flags, sem_u, sem_d):
    i = pl.program_id(0)
    n = pl.num_programs(0)
    e = te_ref[i]

    def cp(eq, slot):
        cu = [pltpu.make_async_copy(wu_hbm.at[eq, pl.ds(k * (D // _NCH), D // _NCH)],
                                    wu_buf.at[slot, pl.ds(k * (D // _NCH), D // _NCH)],
                                    sem_u.at[slot, k])
              for k in range(_NCH)]
        cd = [pltpu.make_async_copy(wd_hbm.at[eq, pl.ds(k * (F // _NCH), F // _NCH)],
                                    wd_buf.at[slot, pl.ds(k * (F // _NCH), F // _NCH)],
                                    sem_d.at[slot, k])
              for k in range(_NCH)]
        return cu + cd

    @pl.when(i == 0)
    def _init():
        for k in range(E):
            flags[k] = 0
        for c in cp(e, e % _NBUF):
            c.start()
        flags[e] = 1
        xb[...] = x_ref[...].astype(_BF16)

    for k in range(1, _LOOK + 1):
        idx = jnp.minimum(i + k, n - 1)
        ek = te_ref[idx]

        @pl.when((flags[ek] == 0) & (ek < e + _NBUF))
        def _prefetch(ek=ek):
            for c in cp(ek, ek % _NBUF):
                c.start()
            flags[ek] = 1

    slot = e % _NBUF

    @pl.when(flags[e] == 1)
    def _wait():
        for c in cp(e, e % _NBUF):
            c.wait()
        flags[e] = 2

    r = lax.broadcasted_iota(_I32, (TILE, T), 0)
    qt = (srow_ref[...] == i * TILE + r).astype(_BF16)
    xs = jnp.dot(qt, xb[...], preferred_element_type=_F32)
    h = jnp.dot(xs, wu_buf[slot], preferred_element_type=_F32)
    h = jax.nn.gelu(h)
    ys_ref[...] = jnp.dot(h, wd_buf[slot], preferred_element_type=_F32)


_ffn = pl.pallas_call(
    _ffn_body,
    grid_spec=pltpu.PrefetchScalarGridSpec(
        num_scalar_prefetch=1,
        grid=(NTILES,),
        in_specs=[
            pl.BlockSpec((1, T), lambda i, te: (0, 0)),
            pl.BlockSpec((T, D), lambda i, te: (0, 0)),
            pl.BlockSpec(memory_space=pltpu.MemorySpace.HBM),
            pl.BlockSpec(memory_space=pltpu.MemorySpace.HBM),
        ],
        out_specs=pl.BlockSpec((TILE, D), lambda i, te: (i, 0)),
        scratch_shapes=[
            pltpu.VMEM((_NBUF, D, F), _F32),
            pltpu.VMEM((_NBUF, F, D), _F32),
            pltpu.VMEM((T, D), _BF16),
            pltpu.SMEM((E,), _I32),
            pltpu.SemaphoreType.DMA((_NBUF, _NCH)),
            pltpu.SemaphoreType.DMA((_NBUF, _NCH)),
        ],
    ),
    out_shape=jax.ShapeDtypeStruct((RS, D), _F32),
    compiler_params=pltpu.CompilerParams(
        dimension_semantics=("arbitrary",),
        vmem_limit_bytes=110 * 1024 * 1024,
    ),
)


def _sc_mesh():
    return plsc.VectorSubcoreMesh(
        core_axis_name="c", subcore_axis_name="s",
        num_cores=NC, num_subcores=NS)


def _make_combine():
    @functools.partial(
        pl.kernel,
        out_type=jax.ShapeDtypeStruct((T, D), _F32),
        mesh=_sc_mesh(),
        scratch_types=[
            pltpu.VMEM((RPW,), _I32),
            pltpu.VMEM((RPW, D), _F32),
            pltpu.SemaphoreType.DMA,
        ],
    )
    def combine(ys_hbm, slot_hbm, out_hbm, idx_v, rows_v, sem):
        wid = lax.axis_index("s") * NC + lax.axis_index("c")
        base = wid * RPW
        pltpu.sync_copy(slot_hbm.at[pl.ds(base, RPW)], idx_v)
        pltpu.async_copy(ys_hbm.at[idx_v], rows_v, sem).wait()
        pltpu.sync_copy(rows_v, out_hbm.at[pl.ds(base, RPW)])

    return combine


def kernel(x, Wg, W_up, W_down):
    B, S, d = x.shape
    t = x.reshape(B * S, d)
    wgp = jnp.pad(Wg, ((0, 0), (0, EP - E)))
    slot_col, slot_row, te_col = _route(t, wgp)
    slot = slot_col.reshape(B * S)
    te = te_col.reshape(EP)[:NTILES]
    ys = _ffn(te, slot_row, t, W_up, W_down)
    out = _make_combine()(ys, slot)
    return out.reshape(B, S, d)

# --- scband reference (transcript-rebuilt; emitter-appended) ---
"""Pipeline reference for scband-mo-efeed-forward-21706764714617 (READ-ONLY COPY).

The authoritative reference and input builder live on the scoring server;
editing this copy changes nothing except your own understanding.
"""

import jax, jax.numpy as jnp
import numpy as np

D_MODEL = 768
D_FF = 2048
N_EXPERTS = 8
TOP_K = 1


def setup_inputs(seed: int = 0) -> dict:
    key = jax.random.key(seed)
    k1, k2, k3, k4 = jax.random.split(key, 4)
    x = jax.random.normal(k1, (1, 2048, D_MODEL), dtype=jnp.float32)
    Wg = jax.random.normal(k2, (D_MODEL, N_EXPERTS), dtype=jnp.float32) * 0.02
    W_up = jax.random.normal(k3, (N_EXPERTS, D_MODEL, D_FF), dtype=jnp.float32) * 0.02
    W_down = jax.random.normal(k4, (N_EXPERTS, D_FF, D_MODEL), dtype=jnp.float32) * 0.02
    return {"x": x, "Wg": Wg, "W_up": W_up, "W_down": W_down}


def reference(x, Wg, W_up, W_down):
    # MoE feed-forward with top-k token routing over FeedForward (GELU MLP) experts.
    B, S, D = x.shape
    t = x.reshape(-1, D)  # [T, D]
    logits = t @ Wg  # [T, E]
    probs = jax.nn.softmax(logits, axis=-1)
    top_vals, top_idx = jax.lax.top_k(probs, TOP_K)  # [T, k]
    gates = top_vals / jnp.sum(top_vals, axis=-1, keepdims=True)  # renormalize over selected experts
    onehot = jax.nn.one_hot(top_idx, N_EXPERTS, dtype=t.dtype)  # [T, k, E]
    combine = jnp.sum(gates[..., None] * onehot, axis=1)  # [T, E]
    # Expert FFN: down(gelu(up(x))) computed per expert, combined by routing weights.
    h = jnp.einsum('td,edf->etf', t, W_up)  # [E, T, F]
    h = jax.nn.gelu(h)
    y = jnp.einsum('etf,efd->etd', h, W_down)  # [E, T, D]
    out = jnp.einsum('te,etd->td', combine, y)  # [T, D]
    return out.reshape(B, S, D)

if __name__ == "__main__":
    import jax
    _d = setup_inputs()
    print(jax.jit(kernel)(*tuple(_d.values())))

</pallas_src>

<mosaic_0001>
#map = affine_map<(d0, d1) -> (0, 0)>
#map1 = affine_map<(d0, d1) -> (0)>
module attributes {stable_mosaic.version = 14 : i64} {
  func.func @combine(%arg0: i32, %arg1: i32, %arg2: memref<2944x768xf32, #tpu.memory_space<hbm>>, %arg3: memref<2048xi32, #tpu.memory_space<hbm>>, %arg4: memref<2048x768xf32, #tpu.memory_space<hbm>>, %arg5: memref<64xi32, #tpu.memory_space<vmem>>, %arg6: memref<64x768xf32, #tpu.memory_space<vmem>>, %arg7: memref<!tpu.dma_semaphore, #tpu.memory_space<semaphore_mem>>) attributes {dimension_semantics = [#tpu.dimension_semantics<core_parallel>, #tpu.dimension_semantics<subcore_parallel>], iteration_bounds = array<i64: 2, 16>, scalar_prefetch = 0 : i64, scratch_operands = 3 : i64, tpu.core_type = #tpu.core_type<sc_vector_subcore>, window_params = [{transform_indices = #map}, {transform_indices = #map1}, {transform_indices = #map}]} {
    %mul3A = arith.constant 2 : i32
    %mul3A_0 = arith.muli %arg1, %mul3A : i32
    %add3A = arith.addi %mul3A_0, %arg0 : i32
    %mul3A_1 = arith.constant 64 : i32
    %mul3A_2 = arith.muli %add3A, %mul3A_1 : i32
    "tpu.region"() ({
      %run_scoped3A = tpu.sem_alloc : memref<!tpu.dma_semaphore, #tpu.memory_space<semaphore_mem>>
      %dma_start3A_7 = tpu.memref_slice %arg3[%mul3A_2] : memref<2048xi32, #tpu.memory_space<hbm>> -> memref<64xi32, #tpu.memory_space<hbm>>
      %dma_start3A_8 = tpu.memref_slice %arg3[%mul3A_2] : memref<2048xi32, #tpu.memory_space<hbm>> -> memref<64xi32, #tpu.memory_space<hbm>>
      tpu.enqueue_dma source(%dma_start3A_8 : memref<64xi32, #tpu.memory_space<hbm>>) target(%arg5 : memref<64xi32, #tpu.memory_space<vmem>>) target_semaphore(%run_scoped3A : memref<!tpu.dma_semaphore, #tpu.memory_space<semaphore_mem>>)
      %dma_wait3A_9 = tpu.memref_slice %arg3[%mul3A_2] : memref<2048xi32, #tpu.memory_space<hbm>> -> memref<64xi32, #tpu.memory_space<hbm>>
      %dma_wait3A_10 = tpu.memref_slice %arg3[%mul3A_2] : memref<2048xi32, #tpu.memory_space<hbm>> -> memref<64xi32, #tpu.memory_space<hbm>>
      tpu.wait_dma2 semaphore(%run_scoped3A : memref<!tpu.dma_semaphore, #tpu.memory_space<semaphore_mem>>) src(%dma_wait3A_10 : memref<64xi32, #tpu.memory_space<hbm>>) dst(%arg5 : memref<64xi32, #tpu.memory_space<vmem>>)
      tpu.yield
    }) : () -> ()
    %dma_start3A = arith.constant 0 : i32
    %dma_start3A_3 = arith.constant 0 : i32
    %dma_start3A_4 = tpu.memref_slice %arg2[%dma_start3A, %dma_start3A_3] : memref<2944x768xf32, #tpu.memory_space<hbm>> -> memref<2944x768xf32, #tpu.memory_space<hbm>>
    tpu.enqueue_indirect_dma source(%dma_start3A_4 : memref<2944x768xf32, #tpu.memory_space<hbm>>) target(%arg6 : memref<64x768xf32, #tpu.memory_space<vmem>>) offsets(%arg5 : memref<64xi32, #tpu.memory_space<vmem>>) semaphore(%arg7 : memref<!tpu.dma_semaphore, #tpu.memory_space<semaphore_mem>>)
    %dma_wait3A = arith.constant 0 : i32
    %dma_wait3A_5 = arith.constant 0 : i32
    %dma_wait3A_6 = tpu.memref_slice %arg2[%dma_wait3A, %dma_wait3A_5] : memref<2944x768xf32, #tpu.memory_space<hbm>> -> memref<2944x768xf32, #tpu.memory_space<hbm>>
    tpu.wait_indirect_dma semaphore(%arg7 : memref<!tpu.dma_semaphore, #tpu.memory_space<semaphore_mem>>) src(%dma_wait3A_6 : memref<2944x768xf32, #tpu.memory_space<hbm>>) dst(%arg6 : memref<64x768xf32, #tpu.memory_space<vmem>>)
    "tpu.region"() ({
      %run_scoped3A = tpu.sem_alloc : memref<!tpu.dma_semaphore, #tpu.memory_space<semaphore_mem>>
      %dma_start3A_7 = arith.constant 0 : i32
      %dma_start3A_8 = tpu.memref_slice %arg4[%mul3A_2, %dma_start3A_7] : memref<2048x768xf32, #tpu.memory_space<hbm>> -> memref<64x768xf32, #tpu.memory_space<hbm>>
      %dma_start3A_9 = arith.constant 0 : i32
      %dma_start3A_10 = tpu.memref_slice %arg4[%mul3A_2, %dma_start3A_9] : memref<2048x768xf32, #tpu.memory_space<hbm>> -> memref<64x768xf32, #tpu.memory_space<hbm>>
      tpu.enqueue_dma source(%arg6 : memref<64x768xf32, #tpu.memory_space<vmem>>) target(%dma_start3A_10 : memref<64x768xf32, #tpu.memory_space<hbm>>) target_semaphore(%run_scoped3A : memref<!tpu.dma_semaphore, #tpu.memory_space<semaphore_mem>>)
      %dma_wait3A_11 = arith.constant 0 : i32
      %dma_wait3A_12 = tpu.memref_slice %arg4[%mul3A_2, %dma_wait3A_11] : memref<2048x768xf32, #tpu.memory_space<hbm>> -> memref<64x768xf32, #tpu.memory_space<hbm>>
      %dma_wait3A_13 = arith.constant 0 : i32
      %dma_wait3A_14 = tpu.memref_slice %arg4[%mul3A_2, %dma_wait3A_13] : memref<2048x768xf32, #tpu.memory_space<hbm>> -> memref<64x768xf32, #tpu.memory_space<hbm>>
      tpu.wait_dma2 semaphore(%run_scoped3A : memref<!tpu.dma_semaphore, #tpu.memory_space<semaphore_mem>>) src(%arg6 : memref<64x768xf32, #tpu.memory_space<vmem>>) dst(%dma_wait3A_14 : memref<64x768xf32, #tpu.memory_space<hbm>>)
      tpu.yield
    }) : () -> ()
    return
  }
}

module attributes {stable_mosaic.version = 14 : i64} {
  func.func @_route_body(%arg0: memref<2048x768xf32, #tpu.memory_space<vmem>>, %arg1: memref<768x128xf32, #tpu.memory_space<vmem>>, %arg2: memref<2048x1xi32, #tpu.memory_space<vmem>>, %arg3: memref<1x2048xi32, #tpu.memory_space<vmem>>, %arg4: memref<128x1xi32, #tpu.memory_space<vmem>>) attributes {dimension_semantics = [], scalar_prefetch = 0 : i64, scratch_operands = 0 : i64, tpu.core_type = #tpu.core_type<tc>} {
    %get3A = arith.constant 0 : index
    %get3A_0 = arith.constant 0 : index
    %get3A_1 = vector.load %arg0[%get3A, %get3A_0] : memref<2048x768xf32, #tpu.memory_space<vmem>>, vector<2048x768xf32>
    %get3A_2 = arith.constant 0 : index
    %get3A_3 = arith.constant 0 : index
    %get3A_4 = vector.load %arg1[%get3A_2, %get3A_3] : memref<768x128xf32, #tpu.memory_space<vmem>>, vector<768x128xf32>
    %dot_general3A = arith.constant dense<0.000000e+00> : vector<2048x128xf32>
    %dot_general3A_5 = tpu.matmul %get3A_1, %get3A_4, %dot_general3A {dimension_numbers = #tpu.dot_dimension_numbers<[1], [0], [0], [1], [0, 0, 1, 1], [], []>, transpose_lhs_hint = false} : vector<2048x768xf32>, vector<768x128xf32>, vector<2048x128xf32> -> vector<2048x128xf32>
    %iota3A = tpu.iota {dimensions = array<i32: 1>} : vector<2048x128xi32>
    %lt3A = arith.constant 8 : i32
    %lt3A_6 = vector.broadcast %lt3A : i32 to vector<2048x128xi32>
    %lt3A_7 = arith.cmpi slt, %iota3A, %lt3A_6 : vector<2048x128xi32>
    %jit3A = arith.constant -1.000000e+30 : f32
    %broadcast_in_dim3A = vector.broadcast %jit3A : f32 to vector<2048x128xf32>
    %select_n3A = arith.select %lt3A_7, %dot_general3A_5, %broadcast_in_dim3A : vector<2048x128xi1>, vector<2048x128xf32>
    %reduce_max3A = arith.constant dense<0xFF800000> : vector<2048xf32>
    %reduce_max3A_8 = vector.multi_reduction <maximumf>, %select_n3A, %reduce_max3A [1] : vector<2048x128xf32> to vector<2048xf32>
    %broadcast_in_dim3A_9 = vector.shape_cast %reduce_max3A_8 : vector<2048xf32> to vector<2048x1xf32>
    %ge3A = vector.broadcast %broadcast_in_dim3A_9 : vector<2048x1xf32> to vector<2048x128xf32>
    %ge3A_10 = arith.cmpf oge, %select_n3A, %ge3A : vector<2048x128xf32>
    %jit3A_11 = arith.constant 128 : i32
    %broadcast_in_dim3A_12 = vector.broadcast %jit3A_11 : i32 to vector<2048x128xi32>
    %select_n3A_13 = arith.select %ge3A_10, %iota3A, %broadcast_in_dim3A_12 : vector<2048x128xi1>, vector<2048x128xi32>
    %reduce_min3A = arith.constant dense<2147483647> : vector<2048xi32>
    %reduce_min3A_14 = vector.multi_reduction <minsi>, %select_n3A_13, %reduce_min3A [1] : vector<2048x128xi32> to vector<2048xi32>
    %broadcast_in_dim3A_15 = vector.shape_cast %reduce_min3A_14 : vector<2048xi32> to vector<2048x1xi32>
    %eq3A = vector.broadcast %broadcast_in_dim3A_15 : vector<2048x1xi32> to vector<2048x128xi32>
    %eq3A_16 = arith.cmpi eq, %iota3A, %eq3A : vector<2048x128xi32>
    %convert_element_type3A = arith.extui %eq3A_16 : vector<2048x128xi1> to vector<2048x128xi32>
    %convert_element_type3A_17 = arith.sitofp %convert_element_type3A : vector<2048x128xi32> to vector<2048x128xf32>
    %reduce_sum3A = arith.constant dense<0.000000e+00> : vector<128xf32>
    %reduce_sum3A_18 = vector.multi_reduction <add>, %convert_element_type3A_17, %reduce_sum3A [0] : vector<2048x128xf32> to vector<128xf32>
    %broadcast_in_dim3A_19 = vector.shape_cast %reduce_sum3A_18 : vector<128xf32> to vector<1x128xf32>
    %add3A = arith.constant 1.270000e+02 : f32
    %add3A_20 = vector.broadcast %add3A : f32 to vector<1x128xf32>
    %add3A_21 = arith.addf %broadcast_in_dim3A_19, %add3A_20 : vector<1x128xf32>
    %div3A = arith.constant 1.280000e+02 : f32
    %div3A_22 = vector.broadcast %div3A : f32 to vector<1x128xf32>
    %div3A_23 = arith.divf %add3A_21, %div3A_22 : vector<1x128xf32>
    %floor3A = math.floor %div3A_23 : vector<1x128xf32>
    %iota3A_24 = tpu.iota {dimensions = array<i32: 0>} : vector<128x128xi32>
    %iota3A_25 = tpu.iota {dimensions = array<i32: 1>} : vector<128x128xi32>
    %le3A = arith.cmpi sle, %iota3A_24, %iota3A_25 : vector<128x128xi32>
    %convert_element_type3A_26 = arith.extui %le3A : vector<128x128xi1> to vector<128x128xi32>
    %convert_element_type3A_27 = arith.sitofp %convert_element_type3A_26 : vector<128x128xi32> to vector<128x128xf32>
    %dot_general3A_28 = arith.constant dense<0.000000e+00> : vector<1x128xf32>
    %dot_general3A_29 = tpu.matmul %floor3A, %convert_element_type3A_27, %dot_general3A_28 {dimension_numbers = #tpu.dot_dimension_numbers<[1], [0], [0], [1], [0, 0, 1, 1], [], []>, transpose_lhs_hint = false} : vector<1x128xf32>, vector<128x128xf32>, vector<1x128xf32> -> vector<1x128xf32>
    %sub3A = arith.subf %dot_general3A_29, %floor3A : vector<1x128xf32>
    %mul3A = arith.constant 1.280000e+02 : f32
    %mul3A_30 = vector.broadcast %mul3A : f32 to vector<1x128xf32>
    %mul3A_31 = arith.mulf %mul3A_30, %sub3A : vector<1x128xf32>
    %iota3A_32 = tpu.iota {dimensions = array<i32: 0>} : vector<2048x2048xi32>
    %iota3A_33 = tpu.iota {dimensions = array<i32: 1>} : vector<2048x2048xi32>
    %le3A_34 = arith.cmpi sle, %iota3A_33, %iota3A_32 : vector<2048x2048xi32>
    %convert_element_type3A_35 = arith.extui %le3A_34 : vector<2048x2048xi1> to vector<2048x2048xi32>
    %convert_element_type3A_36 = arith.sitofp %convert_element_type3A_35 : vector<2048x2048xi32> to vector<2048x2048xf32>
    %dot_general3A_37 = arith.constant dense<0.000000e+00> : vector<2048x128xf32>
    %dot_general3A_38 = tpu.matmul %convert_element_type3A_36, %convert_element_type3A_17, %dot_general3A_37 {dimension_numbers = #tpu.dot_dimension_numbers<[1], [0], [0], [1], [0, 0, 1, 1], [], []>, transpose_lhs_hint = false} : vector<2048x2048xf32>, vector<2048x128xf32>, vector<2048x128xf32> -> vector<2048x128xf32>
    %sub3A_39 = arith.constant 1.000000e+00 : f32
    %sub3A_40 = vector.broadcast %sub3A_39 : f32 to vector<2048x128xf32>
    %sub3A_41 = arith.subf %dot_general3A_38, %sub3A_40 : vector<2048x128xf32>
    %add3A_42 = vector.broadcast %mul3A_31 : vector<1x128xf32> to vector<2048x128xf32>
    %add3A_43 = arith.addf %sub3A_41, %add3A_42 : vector<2048x128xf32>
    %mul3A_44 = arith.mulf %convert_element_type3A_17, %add3A_43 : vector<2048x128xf32>
    %reduce_sum3A_45 = arith.constant dense<0.000000e+00> : vector<2048xf32>
    %reduce_sum3A_46 = vector.multi_reduction <add>, %mul3A_44, %reduce_sum3A_45 [1] : vector<2048x128xf32> to vector<2048xf32>
    %broadcast_in_dim3A_47 = vector.shape_cast %reduce_sum3A_46 : vector<2048xf32> to vector<2048x1xf32>
    %convert_element_type3A_48 = arith.fptosi %broadcast_in_dim3A_47 : vector<2048x1xf32> to vector<2048x1xi32>
    %swap3A = arith.constant 0 : index
    %swap3A_49 = arith.constant 0 : index
    %swap3A_50 = vector.load %arg2[%swap3A, %swap3A_49] : memref<2048x1xi32, #tpu.memory_space<vmem>>, vector<2048x1xi32>
    tpu.vector_store %arg2[%swap3A, %swap3A_49], %convert_element_type3A_48 {strides = array<i32>} : memref<2048x1xi32, #tpu.memory_space<vmem>>, vector<2048x1xi32>,
    %convert_element_type3A_51 = arith.fptosi %broadcast_in_dim3A_47 : vector<2048x1xf32> to vector<2048x1xi32>
    %reshape3A = vector.shape_cast %convert_element_type3A_51 : vector<2048x1xi32> to vector<1x2048xi32>
    %swap3A_52 = arith.constant 0 : index
    %swap3A_53 = arith.constant 0 : index
    %swap3A_54 = vector.load %arg3[%swap3A_52, %swap3A_53] : memref<1x2048xi32, #tpu.memory_space<vmem>>, vector<1x2048xi32>
    tpu.vector_store %arg3[%swap3A_52, %swap3A_53], %reshape3A {strides = array<i32>} : memref<1x2048xi32, #tpu.memory_space<vmem>>, vector<1x2048xi32>,
    %iota3A_55 = tpu.iota {dimensions = array<i32: 0>} : vector<128x128xi32>
    %convert_element_type3A_56 = arith.sitofp %iota3A_55 : vector<128x128xi32> to vector<128x128xf32>
    %lt3A_57 = arith.constant 8 : i32
    %lt3A_58 = vector.broadcast %lt3A_57 : i32 to vector<128x128xi32>
    %lt3A_59 = arith.cmpi slt, %iota3A_25, %lt3A_58 : vector<128x128xi32>
    %ge3A_60 = vector.broadcast %dot_general3A_29 : vector<1x128xf32> to vector<128x128xf32>
    %ge3A_61 = arith.cmpf oge, %convert_element_type3A_56, %ge3A_60 : vector<128x128xf32>
    %convert_element_type3A_62 = arith.extui %ge3A_61 : vector<128x128xi1> to vector<128x128xi32>
    %convert_element_type3A_63 = arith.sitofp %convert_element_type3A_62 : vector<128x128xi32> to vector<128x128xf32>
    %jit3A_64 = arith.constant 0.000000e+00 : f32
    %broadcast_in_dim3A_65 = vector.broadcast %jit3A_64 : f32 to vector<128x128xf32>
    %select_n3A_66 = arith.select %lt3A_59, %convert_element_type3A_63, %broadcast_in_dim3A_65 : vector<128x128xi1>, vector<128x128xf32>
    %reduce_sum3A_67 = arith.constant dense<0.000000e+00> : vector<128xf32>
    %reduce_sum3A_68 = vector.multi_reduction <add>, %select_n3A_66, %reduce_sum3A_67 [1] : vector<128x128xf32> to vector<128xf32>
    %broadcast_in_dim3A_69 = vector.shape_cast %reduce_sum3A_68 : vector<128xf32> to vector<128x1xf32>
    %min3A = arith.constant 7.000000e+00 : f32
    %min3A_70 = vector.broadcast %min3A : f32 to vector<128x1xf32>
    %min3A_71 = arith.minimumf %broadcast_in_dim3A_69, %min3A_70 : vector<128x1xf32>
    %convert_element_type3A_72 = arith.fptosi %min3A_71 : vector<128x1xf32> to vector<128x1xi32>
    %swap3A_73 = arith.constant 0 : index
    %swap3A_74 = arith.constant 0 : index
    %swap3A_75 = vector.load %arg4[%swap3A_73, %swap3A_74] : memref<128x1xi32, #tpu.memory_space<vmem>>, vector<128x1xi32>
    tpu.vector_store %arg4[%swap3A_73, %swap3A_74], %convert_element_type3A_72 {strides = array<i32>} : memref<128x1xi32, #tpu.memory_space<vmem>>, vector<128x1xi32>,
    return
  }
}

module attributes {stable_mosaic.version = 14 : i64} {
  func.func @_ffn_body(%arg0: i32, %arg1: memref<23xi32, #tpu.memory_space<smem>>, %arg2: memref<1x2048xi32, #tpu.memory_space<vmem>>, %arg3: memref<2048x768xf32, #tpu.memory_space<vmem>>, %arg4: memref<8x768x2048xf32, #tpu.memory_space<hbm>>, %arg5: memref<8x2048x768xf32, #tpu.memory_space<hbm>>, %arg6: memref<128x768xf32, #tpu.memory_space<vmem>>, %arg7: memref<4x768x2048xf32, #tpu.memory_space<vmem>>, %arg8: memref<4x2048x768xf32, #tpu.memory_space<vmem>>, %arg9: memref<2048x768xbf16, #tpu.memory_space<vmem>>, %arg10: memref<8xi32, #tpu.memory_space<smem>>, %arg11: memref<4x4x!tpu.dma_semaphore, #tpu.memory_space<semaphore_mem>>, %arg12: memref<4x4x!tpu.dma_semaphore, #tpu.memory_space<semaphore_mem>>) attributes {dimension_semantics = [#tpu.dimension_semantics<arbitrary>], iteration_bounds = array<i64: 23>, scalar_prefetch = 1 : i64, scratch_operands = 6 : i64, tpu.core_type = #tpu.core_type<tc>, window_params = [{pipeline_mode = #tpu.pipeline_mode<synchronous>, transform_indices = @transform_0, window_bounds = array<i64: 1, 2048>}, {pipeline_mode = #tpu.pipeline_mode<synchronous>, transform_indices = @transform_1, window_bounds = array<i64: 2048, 768>}, {}, {}, {transform_indices = @transform_4, window_bounds = array<i64: 128, 768>}]} {
    %get3A = arith.index_cast %arg0 : i32 to index
    %get3A_0 = memref.load %arg1[%get3A] : memref<23xi32, #tpu.memory_space<smem>>
    %eq3A = arith.constant 0 : i32
    %eq3A_1 = arith.cmpi eq, %arg0, %eq3A : i32
    %convert_element_type3A = arith.extui %eq3A_1 : i1 to i32
    %cond3A = arith.constant 0 : i32
    %cond3A_2 = arith.cmpi ne, %convert_element_type3A, %cond3A : i32
    scf.if %cond3A_2 {
      %swap3A_200 = arith.constant 0 : i32
      %swap3A_201 = arith.constant 0 : index
      %swap3A_202 = memref.load %arg10[%swap3A_201] : memref<8xi32, #tpu.memory_space<smem>>
      memref.store %swap3A_200, %arg10[%swap3A_201] : memref<8xi32, #tpu.memory_space<smem>>
      %swap3A_203 = arith.constant 0 : i32
      %swap3A_204 = arith.constant 1 : index
      %swap3A_205 = memref.load %arg10[%swap3A_204] : memref<8xi32, #tpu.memory_space<smem>>
      memref.store %swap3A_203, %arg10[%swap3A_204] : memref<8xi32, #tpu.memory_space<smem>>
      %swap3A_206 = arith.constant 0 : i32
      %swap3A_207 = arith.constant 2 : index
      %swap3A_208 = memref.load %arg10[%swap3A_207] : memref<8xi32, #tpu.memory_space<smem>>
      memref.store %swap3A_206, %arg10[%swap3A_207] : memref<8xi32, #tpu.memory_space<smem>>
      %swap3A_209 = arith.constant 0 : i32
      %swap3A_210 = arith.constant 3 : index
      %swap3A_211 = memref.load %arg10[%swap3A_210] : memref<8xi32, #tpu.memory_space<smem>>
      memref.store %swap3A_209, %arg10[%swap3A_210] : memref<8xi32, #tpu.memory_space<smem>>
      %swap3A_212 = arith.constant 0 : i32
      %swap3A_213 = arith.constant 4 : index
      %swap3A_214 = memref.load %arg10[%swap3A_213] : memref<8xi32, #tpu.memory_space<smem>>
      memref.store %swap3A_212, %arg10[%swap3A_213] : memref<8xi32, #tpu.memory_space<smem>>
      %swap3A_215 = arith.constant 0 : i32
      %swap3A_216 = arith.constant 5 : index
      %swap3A_217 = memref.load %arg10[%swap3A_216] : memref<8xi32, #tpu.memory_space<smem>>
      memref.store %swap3A_215, %arg10[%swap3A_216] : memref<8xi32, #tpu.memory_space<smem>>
      %swap3A_218 = arith.constant 0 : i32
      %swap3A_219 = arith.constant 6 : index
      %swap3A_220 = memref.load %arg10[%swap3A_219] : memref<8xi32, #tpu.memory_space<smem>>
      memref.store %swap3A_218, %arg10[%swap3A_219] : memref<8xi32, #tpu.memory_space<smem>>
      %swap3A_221 = arith.constant 0 : i32
      %swap3A_222 = arith.constant 7 : index
      %swap3A_223 = memref.load %arg10[%swap3A_222] : memref<8xi32, #tpu.memory_space<smem>>
      memref.store %swap3A_221, %arg10[%swap3A_222] : memref<8xi32, #tpu.memory_space<smem>>
      %jit3A_224 = arith.constant 4 : i32
      %eq3A_225 = arith.constant 0 : i32
      %eq3A_226 = arith.cmpi eq, %jit3A_224, %eq3A_225 : i32
      %jit3A_227 = arith.constant 1 : i32
      %select_n3A_228 = arith.select %eq3A_226, %jit3A_227, %jit3A_224 : i32
      %rem3A_229 = arith.remsi %get3A_0, %select_n3A_228 : i32
      %ne3A_230 = arith.constant 0 : i32
      %ne3A_231 = arith.cmpi ne, %rem3A_229, %ne3A_230 : i32
      %lt3A_232 = arith.constant 0 : i32
      %lt3A_233 = arith.cmpi slt, %rem3A_229, %lt3A_232 : i32
      %lt3A_234 = arith.constant 0 : i32
      %lt3A_235 = arith.cmpi slt, %select_n3A_228, %lt3A_234 : i32
      %ne3A_236 = arith.xori %lt3A_233, %lt3A_235 : i1
      %and3A_237 = arith.andi %ne3A_236, %ne3A_231 : i1
      %add3A_238 = arith.addi %rem3A_229, %select_n3A_228 : i32
      %select_n3A_239 = arith.select %and3A_237, %add3A_238, %rem3A_229 : i32
      %dma_start3A = arith.constant 0 : i32
      %dma_start3A_240 = tpu.memref_slice %arg11[%select_n3A_239, %dma_start3A] : memref<4x4x!tpu.dma_semaphore, #tpu.memory_space<semaphore_mem>> -> memref<1x1x!tpu.dma_semaphore, #tpu.memory_space<semaphore_mem>>
      %dma_start3A_241 = tpu.memref_squeeze %dma_start3A_240 : memref<1x1x!tpu.dma_semaphore, #tpu.memory_space<semaphore_mem>> -> memref<!tpu.dma_semaphore, #tpu.memory_space<semaphore_mem>>
      %dma_start3A_242 = arith.constant 0 : i32
      %dma_start3A_243 = arith.constant 0 : i32
      %dma_start3A_244 = tpu.memref_slice %arg7[%select_n3A_239, %dma_start3A_242, %dma_start3A_243] : memref<4x768x2048xf32, #tpu.memory_space<vmem>> -> memref<1x192x2048xf32, #tpu.memory_space<vmem>>
      %dma_start3A_245 = tpu.memref_squeeze %dma_start3A_244 : memref<1x192x2048xf32, #tpu.memory_space<vmem>> -> memref<192x2048xf32, #tpu.memory_space<vmem>>
      %dma_start3A_246 = arith.constant 0 : i32
      %dma_start3A_247 = arith.constant 0 : i32
      %dma_start3A_248 = tpu.memref_slice %arg4[%get3A_0, %dma_start3A_246, %dma_start3A_247] : memref<8x768x2048xf32, #tpu.memory_space<hbm>> -> memref<1x192x2048xf32, #tpu.memory_space<hbm>>
      %dma_start3A_249 = tpu.memref_squeeze %dma_start3A_248 : memref<1x192x2048xf32, #tpu.memory_space<hbm>> -> memref<192x2048xf32, #tpu.memory_space<hbm>>
      tpu.enqueue_dma source(%dma_start3A_249 : memref<192x2048xf32, #tpu.memory_space<hbm>>) target(%dma_start3A_245 : memref<192x2048xf32, #tpu.memory_space<vmem>>) target_semaphore(%dma_start3A_241 : memref<!tpu.dma_semaphore, #tpu.memory_space<semaphore_mem>>)
      %dma_start3A_250 = arith.constant 1 : i32
      %dma_start3A_251 = tpu.memref_slice %arg11[%select_n3A_239, %dma_start3A_250] : memref<4x4x!tpu.dma_semaphore, #tpu.memory_space<semaphore_mem>> -> memref<1x1x!tpu.dma_semaphore, #tpu.memory_space<semaphore_mem>>
      %dma_start3A_252 = tpu.memref_squeeze %dma_start3A_251 : memref<1x1x!tpu.dma_semaphore, #tpu.memory_space<semaphore_mem>> -> memref<!tpu.dma_semaphore, #tpu.memory_space<semaphore_mem>>
      %dma_start3A_253 = arith.constant 192 : i32
      %dma_start3A_254 = arith.constant 0 : i32
      %dma_start3A_255 = tpu.memref_slice %arg7[%select_n3A_239, %dma_start3A_253, %dma_start3A_254] : memref<4x768x2048xf32, #tpu.memory_space<vmem>> -> memref<1x192x2048xf32, #tpu.memory_space<vmem>>
      %dma_start3A_256 = tpu.memref_squeeze %dma_start3A_255 : memref<1x192x2048xf32, #tpu.memory_space<vmem>> -> memref<192x2048xf32, #tpu.memory_space<vmem>>
      %dma_start3A_257 = arith.constant 192 : i32
      %dma_start3A_258 = arith.constant 0 : i32
      %dma_start3A_259 = tpu.memref_slice %arg4[%get3A_0, %dma_start3A_257, %dma_start3A_258] : memref<8x768x2048xf32, #tpu.memory_space<hbm>> -> memref<1x192x2048xf32, #tpu.memory_space<hbm>>
      %dma_start3A_260 = tpu.memref_squeeze %dma_start3A_259 : memref<1x192x2048xf32, #tpu.memory_space<hbm>> -> memref<192x2048xf32, #tpu.memory_space<hbm>>
      tpu.enqueue_dma source(%dma_start3A_260 : memref<192x2048xf32, #tpu.memory_space<hbm>>) target(%dma_start3A_256 : memref<192x2048xf32, #tpu.memory_space<vmem>>) target_semaphore(%dma_start3A_252 : memref<!tpu.dma_semaphore, #tpu.memory_space<semaphore_mem>>)
      %dma_start3A_261 = arith.constant 2 : i32
      %dma_start3A_262 = tpu.memref_slice %arg11[%select_n3A_239, %dma_start3A_261] : memref<4x4x!tpu.dma_semaphore, #tpu.memory_space<semaphore_mem>> -> memref<1x1x!tpu.dma_semaphore, #tpu.memory_space<semaphore_mem>>
      %dma_start3A_263 = tpu.memref_squeeze %dma_start3A_262 : memref<1x1x!tpu.dma_semaphore, #tpu.memory_space<semaphore_mem>> -> memref<!tpu.dma_semaphore, #tpu.memory_space<semaphore_mem>>
      %dma_start3A_264 = arith.constant 384 : i32
      %dma_start3A_265 = arith.constant 0 : i32
      %dma_start3A_266 = tpu.memref_slice %arg7[%select_n3A_239, %dma_start3A_264, %dma_start3A_265] : memref<4x768x2048xf32, #tpu.memory_space<vmem>> -> memref<1x192x2048xf32, #tpu.memory_space<vmem>>
      %dma_start3A_267 = tpu.memref_squeeze %dma_start3A_266 : memref<1x192x2048xf32, #tpu.memory_space<vmem>> -> memref<192x2048xf32, #tpu.memory_space<vmem>>
      %dma_start3A_268 = arith.constant 384 : i32
      %dma_start3A_269 = arith.constant 0 : i32
      %dma_start3A_270 = tpu.memref_slice %arg4[%get3A_0, %dma_start3A_268, %dma_start3A_269] : memref<8x768x2048xf32, #tpu.memory_space<hbm>> -> memref<1x192x2048xf32, #tpu.memory_space<hbm>>
      %dma_start3A_271 = tpu.memref_squeeze %dma_start3A_270 : memref<1x192x2048xf32, #tpu.memory_space<hbm>> -> memref<192x2048xf32, #tpu.memory_space<hbm>>
      tpu.enqueue_dma source(%dma_start3A_271 : memref<192x2048xf32, #tpu.memory_space<hbm>>) target(%dma_start3A_267 : memref<192x2048xf32, #tpu.memory_space<vmem>>) target_semaphore(%dma_start3A_263 : memref<!tpu.dma_semaphore, #tpu.memory_space<semaphore_mem>>)
      %dma_start3A_272 = arith.constant 3 : i32
      %dma_start3A_273 = tpu.memref_slice %arg11[%select_n3A_239, %dma_start3A_272] : memref<4x4x!tpu.dma_semaphore, #tpu.memory_space<semaphore_mem>> -> memref<1x1x!tpu.dma_semaphore, #tpu.memory_space<semaphore_mem>>
      %dma_start3A_274 = tpu.memref_squeeze %dma_start3A_273 : memref<1x1x!tpu.dma_semaphore, #tpu.memory_space<semaphore_mem>> -> memref<!tpu.dma_semaphore, #tpu.memory_space<semaphore_mem>>
      %dma_start3A_275 = arith.constant 576 : i32
      %dma_start3A_276 = arith.constant 0 : i32
      %dma_start3A_277 = tpu.memref_slice %arg7[%select_n3A_239, %dma_start3A_275, %dma_start3A_276] : memref<4x768x2048xf32, #tpu.memory_space<vmem>> -> memref<1x192x2048xf32, #tpu.memory_space<vmem>>
      %dma_start3A_278 = tpu.memref_squeeze %dma_start3A_277 : memref<1x192x2048xf32, #tpu.memory_space<vmem>> -> memref<192x2048xf32, #tpu.memory_space<vmem>>
      %dma_start3A_279 = arith.constant 576 : i32
      %dma_start3A_280 = arith.constant 0 : i32
      %dma_start3A_281 = tpu.memref_slice %arg4[%get3A_0, %dma_start3A_279, %dma_start3A_280] : memref<8x768x2048xf32, #tpu.memory_space<hbm>> -> memref<1x192x2048xf32, #tpu.memory_space<hbm>>
      %dma_start3A_282 = tpu.memref_squeeze %dma_start3A_281 : memref<1x192x2048xf32, #tpu.memory_space<hbm>> -> memref<192x2048xf32, #tpu.memory_space<hbm>>
      tpu.enqueue_dma source(%dma_start3A_282 : memref<192x2048xf32, #tpu.memory_space<hbm>>) target(%dma_start3A_278 : memref<192x2048xf32, #tpu.memory_space<vmem>>) target_semaphore(%dma_start3A_274 : memref<!tpu.dma_semaphore, #tpu.memory_space<semaphore_mem>>)
      %dma_start3A_283 = arith.constant 0 : i32
      %dma_start3A_284 = tpu.memref_slice %arg12[%select_n3A_239, %dma_start3A_283] : memref<4x4x!tpu.dma_semaphore, #tpu.memory_space<semaphore_mem>> -> memref<1x1x!tpu.dma_semaphore, #tpu.memory_space<semaphore_mem>>
      %dma_start3A_285 = tpu.memref_squeeze %dma_start3A_284 : memref<1x1x!tpu.dma_semaphore, #tpu.memory_space<semaphore_mem>> -> memref<!tpu.dma_semaphore, #tpu.memory_space<semaphore_mem>>
      %dma_start3A_286 = arith.constant 0 : i32
      %dma_start3A_287 = arith.constant 0 : i32
      %dma_start3A_288 = tpu.memref_slice %arg8[%select_n3A_239, %dma_start3A_286, %dma_start3A_287] : memref<4x2048x768xf32, #tpu.memory_space<vmem>> -> memref<1x512x768xf32, #tpu.memory_space<vmem>>
      %dma_start3A_289 = tpu.memref_squeeze %dma_start3A_288 : memref<1x512x768xf32, #tpu.memory_space<vmem>> -> memref<512x768xf32, #tpu.memory_space<vmem>>
      %dma_start3A_290 = arith.constant 0 : i32
      %dma_start3A_291 = arith.constant 0 : i32
      %dma_start3A_292 = tpu.memref_slice %arg5[%get3A_0, %dma_start3A_290, %dma_start3A_291] : memref<8x2048x768xf32, #tpu.memory_space<hbm>> -> memref<1x512x768xf32, #tpu.memory_space<hbm>>
      %dma_start3A_293 = tpu.memref_squeeze %dma_start3A_292 : memref<1x512x768xf32, #tpu.memory_space<hbm>> -> memref<512x768xf32, #tpu.memory_space<hbm>>
      tpu.enqueue_dma source(%dma_start3A_293 : memref<512x768xf32, #tpu.memory_space<hbm>>) target(%dma_start3A_289 : memref<512x768xf32, #tpu.memory_space<vmem>>) target_semaphore(%dma_start3A_285 : memref<!tpu.dma_semaphore, #tpu.memory_space<semaphore_mem>>)
      %dma_start3A_294 = arith.constant 1 : i32
      %dma_start3A_295 = tpu.memref_slice %arg12[%select_n3A_239, %dma_start3A_294] : memref<4x4x!tpu.dma_semaphore, #tpu.memory_space<semaphore_mem>> -> memref<1x1x!tpu.dma_semaphore, #tpu.memory_space<semaphore_mem>>
      %dma_start3A_296 = tpu.memref_squeeze %dma_start3A_295 : memref<1x1x!tpu.dma_semaphore, #tpu.memory_space<semaphore_mem>> -> memref<!tpu.dma_semaphore, #tpu.memory_space<semaphore_mem>>
      %dma_start3A_297 = arith.constant 512 : i32
      %dma_start3A_298 = arith.constant 0 : i32
      %dma_start3A_299 = tpu.memref_slice %arg8[%select_n3A_239, %dma_start3A_297, %dma_start3A_298] : memref<4x2048x768xf32, #tpu.memory_space<vmem>> -> memref<1x512x768xf32, #tpu.memory_space<vmem>>
      %dma_start3A_300 = tpu.memref_squeeze %dma_start3A_299 : memref<1x512x768xf32, #tpu.memory_space<vmem>> -> memref<512x768xf32, #tpu.memory_space<vmem>>
      %dma_start3A_301 = arith.constant 512 : i32
      %dma_start3A_302 = arith.constant 0 : i32
      %dma_start3A_303 = tpu.memref_slice %arg5[%get3A_0, %dma_start3A_301, %dma_start3A_302] : memref<8x2048x768xf32, #tpu.memory_space<hbm>> -> memref<1x512x768xf32, #tpu.memory_space<hbm>>
      %dma_start3A_304 = tpu.memref_squeeze %dma_start3A_303 : memref<1x512x768xf32, #tpu.memory_space<hbm>> -> memref<512x768xf32, #tpu.memory_space<hbm>>
      tpu.enqueue_dma source(%dma_start3A_304 : memref<512x768xf32, #tpu.memory_space<hbm>>) target(%dma_start3A_300 : memref<512x768xf32, #tpu.memory_space<vmem>>) target_semaphore(%dma_start3A_296 : memref<!tpu.dma_semaphore, #tpu.memory_space<semaphore_mem>>)
      %dma_start3A_305 = arith.constant 2 : i32
      %dma_start3A_306 = tpu.memref_slice %arg12[%select_n3A_239, %dma_start3A_305] : memref<4x4x!tpu.dma_semaphore, #tpu.memory_space<semaphore_mem>> -> memref<1x1x!tpu.dma_semaphore, #tpu.memory_space<semaphore_mem>>
      %dma_start3A_307 = tpu.memref_squeeze %dma_start3A_306 : memref<1x1x!tpu.dma_semaphore, #tpu.memory_space<semaphore_mem>> -> memref<!tpu.dma_semaphore, #tpu.memory_space<semaphore_mem>>
      %dma_start3A_308 = arith.constant 1024 : i32
      %dma_start3A_309 = arith.constant 0 : i32
      %dma_start3A_310 = tpu.memref_slice %arg8[%select_n3A_239, %dma_start3A_308, %dma_start3A_309] : memref<4x2048x768xf32, #tpu.memory_space<vmem>> -> memref<1x512x768xf32, #tpu.memory_space<vmem>>
      %dma_start3A_311 = tpu.memref_squeeze %dma_start3A_310 : memref<1x512x768xf32, #tpu.memory_space<vmem>> -> memref<512x768xf32, #tpu.memory_space<vmem>>
      %dma_start3A_312 = arith.constant 1024 : i32
      %dma_start3A_313 = arith.constant 0 : i32
      %dma_start3A_314 = tpu.memref_slice %arg5[%get3A_0, %dma_start3A_312, %dma_start3A_313] : memref<8x2048x768xf32, #tpu.memory_space<hbm>> -> memref<1x512x768xf32, #tpu.memory_space<hbm>>
      %dma_start3A_315 = tpu.memref_squeeze %dma_start3A_314 : memref<1x512x768xf32, #tpu.memory_space<hbm>> -> memref<512x768xf32, #tpu.memory_space<hbm>>
      tpu.enqueue_dma source(%dma_start3A_315 : memref<512x768xf32, #tpu.memory_space<hbm>>) target(%dma_start3A_311 : memref<512x768xf32, #tpu.memory_space<vmem>>) target_semaphore(%dma_start3A_307 : memref<!tpu.dma_semaphore, #tpu.memory_space<semaphore_mem>>)
      %dma_start3A_316 = arith.constant 3 : i32
      %dma_start3A_317 = tpu.memref_slice %arg12[%select_n3A_239, %dma_start3A_316] : memref<4x4x!tpu.dma_semaphore, #tpu.memory_space<semaphore_mem>> -> memref<1x1x!tpu.dma_semaphore, #tpu.memory_space<semaphore_mem>>
      %dma_start3A_318 = tpu.memref_squeeze %dma_start3A_317 : memref<1x1x!tpu.dma_semaphore, #tpu.memory_space<semaphore_mem>> -> memref<!tpu.dma_semaphore, #tpu.memory_space<semaphore_mem>>
      %dma_start3A_319 = arith.constant 1536 : i32
      %dma_start3A_320 = arith.constant 0 : i32
      %dma_start3A_321 = tpu.memref_slice %arg8[%select_n3A_239, %dma_start3A_319, %dma_start3A_320] : memref<4x2048x768xf32, #tpu.memory_space<vmem>> -> memref<1x512x768xf32, #tpu.memory_space<vmem>>
      %dma_start3A_322 = tpu.memref_squeeze %dma_start3A_321 : memref<1x512x768xf32, #tpu.memory_space<vmem>> -> memref<512x768xf32, #tpu.memory_space<vmem>>
      %dma_start3A_323 = arith.constant 1536 : i32
      %dma_start3A_324 = arith.constant 0 : i32
      %dma_start3A_325 = tpu.memref_slice %arg5[%get3A_0, %dma_start3A_323, %dma_start3A_324] : memref<8x2048x768xf32, #tpu.memory_space<hbm>> -> memref<1x512x768xf32, #tpu.memory_space<hbm>>
      %dma_start3A_326 = tpu.memref_squeeze %dma_start3A_325 : memref<1x512x768xf32, #tpu.memory_space<hbm>> -> memref<512x768xf32, #tpu.memory_space<hbm>>
      tpu.enqueue_dma source(%dma_start3A_326 : memref<512x768xf32, #tpu.memory_space<hbm>>) target(%dma_start3A_322 : memref<512x768xf32, #tpu.memory_space<vmem>>) target_semaphore(%dma_start3A_318 : memref<!tpu.dma_semaphore, #tpu.memory_space<semaphore_mem>>)
      %swap3A_327 = arith.constant 1 : i32
      %swap3A_328 = arith.index_cast %get3A_0 : i32 to index
      %swap3A_329 = memref.load %arg10[%swap3A_328] : memref<8xi32, #tpu.memory_space<smem>>
      memref.store %swap3A_327, %arg10[%swap3A_328] : memref<8xi32, #tpu.memory_space<smem>>
      %get3A_330 = arith.constant 0 : index
      %get3A_331 = arith.constant 0 : index
      %get3A_332 = vector.load %arg3[%get3A_330, %get3A_331] : memref<2048x768xf32, #tpu.memory_space<vmem>>, vector<2048x768xf32>
      %convert_element_type3A_333 = arith.truncf %get3A_332 : vector<2048x768xf32> to vector<2048x768xbf16>
      %swap3A_334 = arith.constant 0 : index
      %swap3A_335 = arith.constant 0 : index
      %swap3A_336 = vector.load %arg9[%swap3A_334, %swap3A_335] : memref<2048x768xbf16, #tpu.memory_space<vmem>>, vector<2048x768xbf16>
      tpu.vector_store %arg9[%swap3A_334, %swap3A_335], %convert_element_type3A_333 {strides = array<i32>} : memref<2048x768xbf16, #tpu.memory_space<vmem>>, vector<2048x768xbf16>,
    } else {
    }
    %add3A = arith.constant 1 : i32
    %add3A_3 = arith.addi %arg0, %add3A : i32
    %min3A = arith.constant 22 : i32
    %min3A_4 = arith.minsi %add3A_3, %min3A : i32
    %get3A_5 = arith.index_cast %min3A_4 : i32 to index
    %get3A_6 = memref.load %arg1[%get3A_5] : memref<23xi32, #tpu.memory_space<smem>>
    %get3A_7 = arith.index_cast %get3A_6 : i32 to index
    %get3A_8 = memref.load %arg10[%get3A_7] : memref<8xi32, #tpu.memory_space<smem>>
    %eq3A_9 = arith.constant 0 : i32
    %eq3A_10 = arith.cmpi eq, %get3A_8, %eq3A_9 : i32
    %add3A_11 = arith.constant 4 : i32
    %add3A_12 = arith.addi %get3A_0, %add3A_11 : i32
    %lt3A = arith.cmpi slt, %get3A_6, %add3A_12 : i32
    %and3A = arith.andi %eq3A_10, %lt3A : i1
    %convert_element_type3A_13 = arith.extui %and3A : i1 to i32
    %cond3A_14 = arith.constant 0 : i32
    %cond3A_15 = arith.cmpi ne, %convert_element_type3A_13, %cond3A_14 : i32
    scf.if %cond3A_15 {
      %jit3A_200 = arith.constant 4 : i32
      %eq3A_201 = arith.constant 0 : i32
      %eq3A_202 = arith.cmpi eq, %jit3A_200, %eq3A_201 : i32
      %jit3A_203 = arith.constant 1 : i32
      %select_n3A_204 = arith.select %eq3A_202, %jit3A_203, %jit3A_200 : i32
      %rem3A_205 = arith.remsi %get3A_6, %select_n3A_204 : i32
      %ne3A_206 = arith.constant 0 : i32
      %ne3A_207 = arith.cmpi ne, %rem3A_205, %ne3A_206 : i32
      %lt3A_208 = arith.constant 0 : i32
      %lt3A_209 = arith.cmpi slt, %rem3A_205, %lt3A_208 : i32
      %lt3A_210 = arith.constant 0 : i32
      %lt3A_211 = arith.cmpi slt, %select_n3A_204, %lt3A_210 : i32
      %ne3A_212 = arith.xori %lt3A_209, %lt3A_211 : i1
      %and3A_213 = arith.andi %ne3A_212, %ne3A_207 : i1
      %add3A_214 = arith.addi %rem3A_205, %select_n3A_204 : i32
      %select_n3A_215 = arith.select %and3A_213, %add3A_214, %rem3A_205 : i32
      %dma_start3A = arith.constant 0 : i32
      %dma_start3A_216 = tpu.memref_slice %arg11[%select_n3A_215, %dma_start3A] : memref<4x4x!tpu.dma_semaphore, #tpu.memory_space<semaphore_mem>> -> memref<1x1x!tpu.dma_semaphore, #tpu.memory_space<semaphore_mem>>
      %dma_start3A_217 = tpu.memref_squeeze %dma_start3A_216 : memref<1x1x!tpu.dma_semaphore, #tpu.memory_space<semaphore_mem>> -> memref<!tpu.dma_semaphore, #tpu.memory_space<semaphore_mem>>
      %dma_start3A_218 = arith.constant 0 : i32
      %dma_start3A_219 = arith.constant 0 : i32
      %dma_start3A_220 = tpu.memref_slice %arg7[%select_n3A_215, %dma_start3A_218, %dma_start3A_219] : memref<4x768x2048xf32, #tpu.memory_space<vmem>> -> memref<1x192x2048xf32, #tpu.memory_space<vmem>>
      %dma_start3A_221 = tpu.memref_squeeze %dma_start3A_220 : memref<1x192x2048xf32, #tpu.memory_space<vmem>> -> memref<192x2048xf32, #tpu.memory_space<vmem>>
      %dma_start3A_222 = arith.constant 0 : i32
      %dma_start3A_223 = arith.constant 0 : i32
      %dma_start3A_224 = tpu.memref_slice %arg4[%get3A_6, %dma_start3A_222, %dma_start3A_223] : memref<8x768x2048xf32, #tpu.memory_space<hbm>> -> memref<1x192x2048xf32, #tpu.memory_space<hbm>>
      %dma_start3A_225 = tpu.memref_squeeze %dma_start3A_224 : memref<1x192x2048xf32, #tpu.memory_space<hbm>> -> memref<192x2048xf32, #tpu.memory_space<hbm>>
      tpu.enqueue_dma source(%dma_start3A_225 : memref<192x2048xf32, #tpu.memory_space<hbm>>) target(%dma_start3A_221 : memref<192x2048xf32, #tpu.memory_space<vmem>>) target_semaphore(%dma_start3A_217 : memref<!tpu.dma_semaphore, #tpu.memory_space<semaphore_mem>>)
      %dma_start3A_226 = arith.constant 1 : i32
      %dma_start3A_227 = tpu.memref_slice %arg11[%select_n3A_215, %dma_start3A_226] : memref<4x4x!tpu.dma_semaphore, #tpu.memory_space<semaphore_mem>> -> memref<1x1x!tpu.dma_semaphore, #tpu.memory_space<semaphore_mem>>
      %dma_start3A_228 = tpu.memref_squeeze %dma_start3A_227 : memref<1x1x!tpu.dma_semaphore, #tpu.memory_space<semaphore_mem>> -> memref<!tpu.dma_semaphore, #tpu.memory_space<semaphore_mem>>
      %dma_start3A_229 = arith.constant 192 : i32
      %dma_start3A_230 = arith.constant 0 : i32
      %dma_start3A_231 = tpu.memref_slice %arg7[%select_n3A_215, %dma_start3A_229, %dma_start3A_230] : memref<4x768x2048xf32, #tpu.memory_space<vmem>> -> memref<1x192x2048xf32, #tpu.memory_space<vmem>>
      %dma_start3A_232 = tpu.memref_squeeze %dma_start3A_231 : memref<1x192x2048xf32, #tpu.memory_space<vmem>> -> memref<192x2048xf32, #tpu.memory_space<vmem>>
      %dma_start3A_233 = arith.constant 192 : i32
      %dma_start3A_234 = arith.constant 0 : i32
      %dma_start3A_235 = tpu.memref_slice %arg4[%get3A_6, %dma_start3A_233, %dma_start3A_234] : memref<8x768x2048xf32, #tpu.memory_space<hbm>> -> memref<1x192x2048xf32, #tpu.memory_space<hbm>>
      %dma_start3A_236 = tpu.memref_squeeze %dma_start3A_235 : memref<1x192x2048xf32, #tpu.memory_space<hbm>> -> memref<192x2048xf32, #tpu.memory_space<hbm>>
      tpu.enqueue_dma source(%dma_start3A_236 : memref<192x2048xf32, #tpu.memory_space<hbm>>) target(%dma_start3A_232 : memref<192x2048xf32, #tpu.memory_space<vmem>>) target_semaphore(%dma_start3A_228 : memref<!tpu.dma_semaphore, #tpu.memory_space<semaphore_mem>>)
      %dma_start3A_237 = arith.constant 2 : i32
      %dma_start3A_238 = tpu.memref_slice %arg11[%select_n3A_215, %dma_start3A_237] : memref<4x4x!tpu.dma_semaphore, #tpu.memory_space<semaphore_mem>> -> memref<1x1x!tpu.dma_semaphore, #tpu.memory_space<semaphore_mem>>
      %dma_start3A_239 = tpu.memref_squeeze %dma_start3A_238 : memref<1x1x!tpu.dma_semaphore, #tpu.memory_space<semaphore_mem>> -> memref<!tpu.dma_semaphore, #tpu.memory_space<semaphore_mem>>
      %dma_start3A_240 = arith.constant 384 : i32
      %dma_start3A_241 = arith.constant 0 : i32
      %dma_start3A_242 = tpu.memref_slice %arg7[%select_n3A_215, %dma_start3A_240, %dma_start3A_241] : memref<4x768x2048xf32, #tpu.memory_space<vmem>> -> memref<1x192x2048xf32, #tpu.memory_space<vmem>>
      %dma_start3A_243 = tpu.memref_squeeze %dma_start3A_242 : memref<1x192x2048xf32, #tpu.memory_space<vmem>> -> memref<192x2048xf32, #tpu.memory_space<vmem>>
      %dma_start3A_244 = arith.constant 384 : i32
      %dma_start3A_245 = arith.constant 0 : i32
      %dma_start3A_246 = tpu.memref_slice %arg4[%get3A_6, %dma_start3A_244, %dma_start3A_245] : memref<8x768x2048xf32, #tpu.memory_space<hbm>> -> memref<1x192x2048xf32, #tpu.memory_space<hbm>>
      %dma_start3A_247 = tpu.memref_squeeze %dma_start3A_246 : memref<1x192x2048xf32, #tpu.memory_space<hbm>> -> memref<192x2048xf32, #tpu.memory_space<hbm>>
      tpu.enqueue_dma source(%dma_start3A_247 : memref<192x2048xf32, #tpu.memory_space<hbm>>) target(%dma_start3A_243 : memref<192x2048xf32, #tpu.memory_space<vmem>>) target_semaphore(%dma_start3A_239 : memref<!tpu.dma_semaphore, #tpu.memory_space<semaphore_mem>>)
      %dma_start3A_248 = arith.constant 3 : i32
      %dma_start3A_249 = tpu.memref_slice %arg11[%select_n3A_215, %dma_start3A_248] : memref<4x4x!tpu.dma_semaphore, #tpu.memory_space<semaphore_mem>> -> memref<1x1x!tpu.dma_semaphore, #tpu.memory_space<semaphore_mem>>
      %dma_start3A_250 = tpu.memref_squeeze %dma_start3A_249 : memref<1x1x!tpu.dma_semaphore, #tpu.memory_space<semaphore_mem>> -> memref<!tpu.dma_semaphore, #tpu.memory_space<semaphore_mem>>
      %dma_start3A_251 = arith.constant 576 : i32
      %dma_start3A_252 = arith.constant 0 : i32
      %dma_start3A_253 = tpu.memref_slice %arg7[%select_n3A_215, %dma_start3A_251, %dma_start3A_252] : memref<4x768x2048xf32, #tpu.memory_space<vmem>> -> memref<1x192x2048xf32, #tpu.memory_space<vmem>>
      %dma_start3A_254 = tpu.memref_squeeze %dma_start3A_253 : memref<1x192x2048xf32, #tpu.memory_space<vmem>> -> memref<192x2048xf32, #tpu.memory_space<vmem>>
      %dma_start3A_255 = arith.constant 576 : i32
      %dma_start3A_256 = arith.constant 0 : i32
      %dma_start3A_257 = tpu.memref_slice %arg4[%get3A_6, %dma_start3A_255, %dma_start3A_256] : memref<8x768x2048xf32, #tpu.memory_space<hbm>> -> memref<1x192x2048xf32, #tpu.memory_space<hbm>>
      %dma_start3A_258 = tpu.memref_squeeze %dma_start3A_257 : memref<1x192x2048xf32, #tpu.memory_space<hbm>> -> memref<192x2048xf32, #tpu.memory_space<hbm>>
      tpu.enqueue_dma source(%dma_start3A_258 : memref<192x2048xf32, #tpu.memory_space<hbm>>) target(%dma_start3A_254 : memref<192x2048xf32, #tpu.memory_space<vmem>>) target_semaphore(%dma_start3A_250 : memref<!tpu.dma_semaphore, #tpu.memory_space<semaphore_mem>>)
      %dma_start3A_259 = arith.constant 0 : i32
      %dma_start3A_260 = tpu.memref_slice %arg12[%select_n3A_215, %dma_start3A_259] : memref<4x4x!tpu.dma_semaphore, #tpu.memory_space<semaphore_mem>> -> memref<1x1x!tpu.dma_semaphore, #tpu.memory_space<semaphore_mem>>
      %dma_start3A_261 = tpu.memref_squeeze %dma_start3A_260 : memref<1x1x!tpu.dma_semaphore, #tpu.memory_space<semaphore_mem>> -> memref<!tpu.dma_semaphore, #tpu.memory_space<semaphore_mem>>
      %dma_start3A_262 = arith.constant 0 : i32
      %dma_start3A_263 = arith.constant 0 : i32
      %dma_start3A_264 = tpu.memref_slice %arg8[%select_n3A_215, %dma_start3A_262, %dma_start3A_263] : memref<4x2048x768xf32, #tpu.memory_space<vmem>> -> memref<1x512x768xf32, #tpu.memory_space<vmem>>
      %dma_start3A_265 = tpu.memref_squeeze %dma_start3A_264 : memref<1x512x768xf32, #tpu.memory_space<vmem>> -> memref<512x768xf32, #tpu.memory_space<vmem>>
      %dma_start3A_266 = arith.constant 0 : i32
      %dma_start3A_267 = arith.constant 0 : i32
      %dma_start3A_268 = tpu.memref_slice %arg5[%get3A_6, %dma_start3A_266, %dma_start3A_267] : memref<8x2048x768xf32, #tpu.memory_space<hbm>> -> memref<1x512x768xf32, #tpu.memory_space<hbm>>
      %dma_start3A_269 = tpu.memref_squeeze %dma_start3A_268 : memref<1x512x768xf32, #tpu.memory_space<hbm>> -> memref<512x768xf32, #tpu.memory_space<hbm>>
      tpu.enqueue_dma source(%dma_start3A_269 : memref<512x768xf32, #tpu.memory_space<hbm>>) target(%dma_start3A_265 : memref<512x768xf32, #tpu.memory_space<vmem>>) target_semaphore(%dma_start3A_261 : memref<!tpu.dma_semaphore, #tpu.memory_space<semaphore_mem>>)
      %dma_start3A_270 = arith.constant 1 : i32
      %dma_start3A_271 = tpu.memref_slice %arg12[%select_n3A_215, %dma_start3A_270] : memref<4x4x!tpu.dma_semaphore, #tpu.memory_space<semaphore_mem>> -> memref<1x1x!tpu.dma_semaphore, #tpu.memory_space<semaphore_mem>>
      %dma_start3A_272 = tpu.memref_squeeze %dma_start3A_271 : memref<1x1x!tpu.dma_semaphore, #tpu.memory_space<semaphore_mem>> -> memref<!tpu.dma_semaphore, #tpu.memory_space<semaphore_mem>>
      %dma_start3A_273 = arith.constant 512 : i32
      %dma_start3A_274 = arith.constant 0 : i32
      %dma_start3A_275 = tpu.memref_slice %arg8[%select_n3A_215, %dma_start3A_273, %dma_start3A_274] : memref<4x2048x768xf32, #tpu.memory_space<vmem>> -> memref<1x512x768xf32, #tpu.memory_space<vmem>>
      %dma_start3A_276 = tpu.memref_squeeze %dma_start3A_275 : memref<1x512x768xf32, #tpu.memory_space<vmem>> -> memref<512x768xf32, #tpu.memory_space<vmem>>
      %dma_start3A_277 = arith.constant 512 : i32
      %dma_start3A_278 = arith.constant 0 : i32
      %dma_start3A_279 = tpu.memref_slice %arg5[%get3A_6, %dma_start3A_277, %dma_start3A_278] : memref<8x2048x768xf32, #tpu.memory_space<hbm>> -> memref<1x512x768xf32, #tpu.memory_space<hbm>>
      %dma_start3A_280 = tpu.memref_squeeze %dma_start3A_279 : memref<1x512x768xf32, #tpu.memory_space<hbm>> -> memref<512x768xf32, #tpu.memory_space<hbm>>
      tpu.enqueue_dma source(%dma_start3A_280 : memref<512x768xf32, #tpu.memory_space<hbm>>) target(%dma_start3A_276 : memref<512x768xf32, #tpu.memory_space<vmem>>) target_semaphore(%dma_start3A_272 : memref<!tpu.dma_semaphore, #tpu.memory_space<semaphore_mem>>)
      %dma_start3A_281 = arith.constant 2 : i32
      %dma_start3A_282 = tpu.memref_slice %arg12[%select_n3A_215, %dma_start3A_281] : memref<4x4x!tpu.dma_semaphore, #tpu.memory_space<semaphore_mem>> -> memref<1x1x!tpu.dma_semaphore, #tpu.memory_space<semaphore_mem>>
      %dma_start3A_283 = tpu.memref_squeeze %dma_start3A_282 : memref<1x1x!tpu.dma_semaphore, #tpu.memory_space<semaphore_mem>> -> memref<!tpu.dma_semaphore, #tpu.memory_space<semaphore_mem>>
      %dma_start3A_284 = arith.constant 1024 : i32
      %dma_start3A_285 = arith.constant 0 : i32
      %dma_start3A_286 = tpu.memref_slice %arg8[%select_n3A_215, %dma_start3A_284, %dma_start3A_285] : memref<4x2048x768xf32, #tpu.memory_space<vmem>> -> memref<1x512x768xf32, #tpu.memory_space<vmem>>
      %dma_start3A_287 = tpu.memref_squeeze %dma_start3A_286 : memref<1x512x768xf32, #tpu.memory_space<vmem>> -> memref<512x768xf32, #tpu.memory_space<vmem>>
      %dma_start3A_288 = arith.constant 1024 : i32
      %dma_start3A_289 = arith.constant 0 : i32
      %dma_start3A_290 = tpu.memref_slice %arg5[%get3A_6, %dma_start3A_288, %dma_start3A_289] : memref<8x2048x768xf32, #tpu.memory_space<hbm>> -> memref<1x512x768xf32, #tpu.memory_space<hbm>>
      %dma_start3A_291 = tpu.memref_squeeze %dma_start3A_290 : memref<1x512x768xf32, #tpu.memory_space<hbm>> -> memref<512x768xf32, #tpu.memory_space<hbm>>
      tpu.enqueue_dma source(%dma_start3A_291 : memref<512x768xf32, #tpu.memory_space<hbm>>) target(%dma_start3A_287 : memref<512x768xf32, #tpu.memory_space<vmem>>) target_semaphore(%dma_start3A_283 : memref<!tpu.dma_semaphore, #tpu.memory_space<semaphore_mem>>)
      %dma_start3A_292 = arith.constant 3 : i32
      %dma_start3A_293 = tpu.memref_slice %arg12[%select_n3A_215, %dma_start3A_292] : memref<4x4x!tpu.dma_semaphore, #tpu.memory_space<semaphore_mem>> -> memref<1x1x!tpu.dma_semaphore, #tpu.memory_space<semaphore_mem>>
      %dma_start3A_294 = tpu.memref_squeeze %dma_start3A_293 : memref<1x1x!tpu.dma_semaphore, #tpu.memory_space<semaphore_mem>> -> memref<!tpu.dma_semaphore, #tpu.memory_space<semaphore_mem>>
      %dma_start3A_295 = arith.constant 1536 : i32
      %dma_start3A_296 = arith.constant 0 : i32
      %dma_start3A_297 = tpu.memref_slice %arg8[%select_n3A_215, %dma_start3A_295, %dma_start3A_296] : memref<4x2048x768xf32, #tpu.memory_space<vmem>> -> memref<1x512x768xf32, #tpu.memory_space<vmem>>
      %dma_start3A_298 = tpu.memref_squeeze %dma_start3A_297 : memref<1x512x768xf32, #tpu.memory_space<vmem>> -> memref<512x768xf32, #tpu.memory_space<vmem>>
      %dma_start3A_299 = arith.constant 1536 : i32
      %dma_start3A_300 = arith.constant 0 : i32
      %dma_start3A_301 = tpu.memref_slice %arg5[%get3A_6, %dma_start3A_299, %dma_start3A_300] : memref<8x2048x768xf32, #tpu.memory_space<hbm>> -> memref<1x512x768xf32, #tpu.memory_space<hbm>>
      %dma_start3A_302 = tpu.memref_squeeze %dma_start3A_301 : memref<1x512x768xf32, #tpu.memory_space<hbm>> -> memref<512x768xf32, #tpu.memory_space<hbm>>
      tpu.enqueue_dma source(%dma_start3A_302 : memref<512x768xf32, #tpu.memory_space<hbm>>) target(%dma_start3A_298 : memref<512x768xf32, #tpu.memory_space<vmem>>) target_semaphore(%dma_start3A_294 : memref<!tpu.dma_semaphore, #tpu.memory_space<semaphore_mem>>)
      %swap3A_303 = arith.constant 1 : i32
      %swap3A_304 = arith.index_cast %get3A_6 : i32 to index
      %swap3A_305 = memref.load %arg10[%swap3A_304] : memref<8xi32, #tpu.memory_space<smem>>
      memref.store %swap3A_303, %arg10[%swap3A_304] : memref<8xi32, #tpu.memory_space<smem>>
    } else {
    }
    %add3A_16 = arith.constant 2 : i32
    %add3A_17 = arith.addi %arg0, %add3A_16 : i32
    %min3A_18 = arith.constant 22 : i32
    %min3A_19 = arith.minsi %add3A_17, %min3A_18 : i32
    %get3A_20 = arith.index_cast %min3A_19 : i32 to index
    %get3A_21 = memref.load %arg1[%get3A_20] : memref<23xi32, #tpu.memory_space<smem>>
    %get3A_22 = arith.index_cast %get3A_21 : i32 to index
    %get3A_23 = memref.load %arg10[%get3A_22] : memref<8xi32, #tpu.memory_space<smem>>
    %eq3A_24 = arith.constant 0 : i32
    %eq3A_25 = arith.cmpi eq, %get3A_23, %eq3A_24 : i32
    %add3A_26 = arith.constant 4 : i32
    %add3A_27 = arith.addi %get3A_0, %add3A_26 : i32
    %lt3A_28 = arith.cmpi slt, %get3A_21, %add3A_27 : i32
    %and3A_29 = arith.andi %eq3A_25, %lt3A_28 : i1
    %convert_element_type3A_30 = arith.extui %and3A_29 : i1 to i32
    %cond3A_31 = arith.constant 0 : i32
    %cond3A_32 = arith.cmpi ne, %convert_element_type3A_30, %cond3A_31 : i32
    scf.if %cond3A_32 {
      %jit3A_200 = arith.constant 4 : i32
      %eq3A_201 = arith.constant 0 : i32
      %eq3A_202 = arith.cmpi eq, %jit3A_200, %eq3A_201 : i32
      %jit3A_203 = arith.constant 1 : i32
      %select_n3A_204 = arith.select %eq3A_202, %jit3A_203, %jit3A_200 : i32
      %rem3A_205 = arith.remsi %get3A_21, %select_n3A_204 : i32
      %ne3A_206 = arith.constant 0 : i32
      %ne3A_207 = arith.cmpi ne, %rem3A_205, %ne3A_206 : i32
      %lt3A_208 = arith.constant 0 : i32
      %lt3A_209 = arith.cmpi slt, %rem3A_205, %lt3A_208 : i32
      %lt3A_210 = arith.constant 0 : i32
      %lt3A_211 = arith.cmpi slt, %select_n3A_204, %lt3A_210 : i32
      %ne3A_212 = arith.xori %lt3A_209, %lt3A_211 : i1
      %and3A_213 = arith.andi %ne3A_212, %ne3A_207 : i1
      %add3A_214 = arith.addi %rem3A_205, %select_n3A_204 : i32
      %select_n3A_215 = arith.select %and3A_213, %add3A_214, %rem3A_205 : i32
      %dma_start3A = arith.constant 0 : i32
      %dma_start3A_216 = tpu.memref_slice %arg11[%select_n3A_215, %dma_start3A] : memref<4x4x!tpu.dma_semaphore, #tpu.memory_space<semaphore_mem>> -> memref<1x1x!tpu.dma_semaphore, #tpu.memory_space<semaphore_mem>>
      %dma_start3A_217 = tpu.memref_squeeze %dma_start3A_216 : memref<1x1x!tpu.dma_semaphore, #tpu.memory_space<semaphore_mem>> -> memref<!tpu.dma_semaphore, #tpu.memory_space<semaphore_mem>>
      %dma_start3A_218 = arith.constant 0 : i32
      %dma_start3A_219 = arith.constant 0 : i32
      %dma_start3A_220 = tpu.memref_slice %arg7[%select_n3A_215, %dma_start3A_218, %dma_start3A_219] : memref<4x768x2048xf32, #tpu.memory_space<vmem>> -> memref<1x192x2048xf32, #tpu.memory_space<vmem>>
      %dma_start3A_221 = tpu.memref_squeeze %dma_start3A_220 : memref<1x192x2048xf32, #tpu.memory_space<vmem>> -> memref<192x2048xf32, #tpu.memory_space<vmem>>
      %dma_start3A_222 = arith.constant 0 : i32
      %dma_start3A_223 = arith.constant 0 : i32
      %dma_start3A_224 = tpu.memref_slice %arg4[%get3A_21, %dma_start3A_222, %dma_start3A_223] : memref<8x768x2048xf32, #tpu.memory_space<hbm>> -> memref<1x192x2048xf32, #tpu.memory_space<hbm>>
      %dma_start3A_225 = tpu.memref_squeeze %dma_start3A_224 : memref<1x192x2048xf32, #tpu.memory_space<hbm>> -> memref<192x2048xf32, #tpu.memory_space<hbm>>
      tpu.enqueue_dma source(%dma_start3A_225 : memref<192x2048xf32, #tpu.memory_space<hbm>>) target(%dma_start3A_221 : memref<192x2048xf32, #tpu.memory_space<vmem>>) target_semaphore(%dma_start3A_217 : memref<!tpu.dma_semaphore, #tpu.memory_space<semaphore_mem>>)
      %dma_start3A_226 = arith.constant 1 : i32
      %dma_start3A_227 = tpu.memref_slice %arg11[%select_n3A_215, %dma_start3A_226] : memref<4x4x!tpu.dma_semaphore, #tpu.memory_space<semaphore_mem>> -> memref<1x1x!tpu.dma_semaphore, #tpu.memory_space<semaphore_mem>>
      %dma_start3A_228 = tpu.memref_squeeze %dma_start3A_227 : memref<1x1x!tpu.dma_semaphore, #tpu.memory_space<semaphore_mem>> -> memref<!tpu.dma_semaphore, #tpu.memory_space<semaphore_mem>>
      %dma_start3A_229 = arith.constant 192 : i32
      %dma_start3A_230 = arith.constant 0 : i32
      %dma_start3A_231 = tpu.memref_slice %arg7[%select_n3A_215, %dma_start3A_229, %dma_start3A_230] : memref<4x768x2048xf32, #tpu.memory_space<vmem>> -> memref<1x192x2048xf32, #tpu.memory_space<vmem>>
      %dma_start3A_232 = tpu.memref_squeeze %dma_start3A_231 : memref<1x192x2048xf32, #tpu.memory_space<vmem>> -> memref<192x2048xf32, #tpu.memory_space<vmem>>
      %dma_start3A_233 = arith.constant 192 : i32
      %dma_start3A_234 = arith.constant 0 : i32
      %dma_start3A_235 = tpu.memref_slice %arg4[%get3A_21, %dma_start3A_233, %dma_start3A_234] : memref<8x768x2048xf32, #tpu.memory_space<hbm>> -> memref<1x192x2048xf32, #tpu.memory_space<hbm>>
      %dma_start3A_236 = tpu.memref_squeeze %dma_start3A_235 : memref<1x192x2048xf32, #tpu.memory_space<hbm>> -> memref<192x2048xf32, #tpu.memory_space<hbm>>
      tpu.enqueue_dma source(%dma_start3A_236 : memref<192x2048xf32, #tpu.memory_space<hbm>>) target(%dma_start3A_232 : memref<192x2048xf32, #tpu.memory_space<vmem>>) target_semaphore(%dma_start3A_228 : memref<!tpu.dma_semaphore, #tpu.memory_space<semaphore_mem>>)
      %dma_start3A_237 = arith.constant 2 : i32
      %dma_start3A_238 = tpu.memref_slice %arg11[%select_n3A_215, %dma_start3A_237] : memref<4x4x!tpu.dma_semaphore, #tpu.memory_space<semaphore_mem>> -> memref<1x1x!tpu.dma_semaphore, #tpu.memory_space<semaphore_mem>>
      %dma_start3A_239 = tpu.memref_squeeze %dma_start3A_238 : memref<1x1x!tpu.dma_semaphore, #tpu.memory_space<semaphore_mem>> -> memref<!tpu.dma_semaphore, #tpu.memory_space<semaphore_mem>>
      %dma_start3A_240 = arith.constant 384 : i32
      %dma_start3A_241 = arith.constant 0 : i32
      %dma_start3A_242 = tpu.memref_slice %arg7[%select_n3A_215, %dma_start3A_240, %dma_start3A_241] : memref<4x768x2048xf32, #tpu.memory_space<vmem>> -> memref<1x192x2048xf32, #tpu.memory_space<vmem>>
      %dma_start3A_243 = tpu.memref_squeeze %dma_start3A_242 : memref<1x192x2048xf32, #tpu.memory_space<vmem>> -> memref<192x2048xf32, #tpu.memory_space<vmem>>
      %dma_start3A_244 = arith.constant 384 : i32
      %dma_start3A_245 = arith.constant 0 : i32
      %dma_start3A_246 = tpu.memref_slice %arg4[%get3A_21, %dma_start3A_244, %dma_start3A_245] : memref<8x768x2048xf32, #tpu.memory_space<hbm>> -> memref<1x192x2048xf32, #tpu.memory_space<hbm>>
      %dma_start3A_247 = tpu.memref_squeeze %dma_start3A_246 : memref<1x192x2048xf32, #tpu.memory_space<hbm>> -> memref<192x2048xf32, #tpu.memory_space<hbm>>
      tpu.enqueue_dma source(%dma_start3A_247 : memref<192x2048xf32, #tpu.memory_space<hbm>>) target(%dma_start3A_243 : memref<192x2048xf32, #tpu.memory_space<vmem>>) target_semaphore(%dma_start3A_239 : memref<!tpu.dma_semaphore, #tpu.memory_space<semaphore_mem>>)
      %dma_start3A_248 = arith.constant 3 : i32
      %dma_start3A_249 = tpu.memref_slice %arg11[%select_n3A_215, %dma_start3A_248] : memref<4x4x!tpu.dma_semaphore, #tpu.memory_space<semaphore_mem>> -> memref<1x1x!tpu.dma_semaphore, #tpu.memory_space<semaphore_mem>>
      %dma_start3A_250 = tpu.memref_squeeze %dma_start3A_249 : memref<1x1x!tpu.dma_semaphore, #tpu.memory_space<semaphore_mem>> -> memref<!tpu.dma_semaphore, #tpu.memory_space<semaphore_mem>>
      %dma_start3A_251 = arith.constant 576 : i32
      %dma_start3A_252 = arith.constant 0 : i32
      %dma_start3A_253 = tpu.memref_slice %arg7[%select_n3A_215, %dma_start3A_251, %dma_start3A_252] : memref<4x768x2048xf32, #tpu.memory_space<vmem>> -> memref<1x192x2048xf32, #tpu.memory_space<vmem>>
      %dma_start3A_254 = tpu.memref_squeeze %dma_start3A_253 : memref<1x192x2048xf32, #tpu.memory_space<vmem>> -> memref<192x2048xf32, #tpu.memory_space<vmem>>
      %dma_start3A_255 = arith.constant 576 : i32
      %dma_start3A_256 = arith.constant 0 : i32
      %dma_start3A_257 = tpu.memref_slice %arg4[%get3A_21, %dma_start3A_255, %dma_start3A_256] : memref<8x768x2048xf32, #tpu.memory_space<hbm>> -> memref<1x192x2048xf32, #tpu.memory_space<hbm>>
      %dma_start3A_258 = tpu.memref_squeeze %dma_start3A_257 : memref<1x192x2048xf32, #tpu.memory_space<hbm>> -> memref<192x2048xf32, #tpu.memory_space<hbm>>
      tpu.enqueue_dma source(%dma_start3A_258 : memref<192x2048xf32, #tpu.memory_space<hbm>>) target(%dma_start3A_254 : memref<192x2048xf32, #tpu.memory_space<vmem>>) target_semaphore(%dma_start3A_250 : memref<!tpu.dma_semaphore, #tpu.memory_space<semaphore_mem>>)
      %dma_start3A_259 = arith.constant 0 : i32
      %dma_start3A_260 = tpu.memref_slice %arg12[%select_n3A_215, %dma_start3A_259] : memref<4x4x!tpu.dma_semaphore, #tpu.memory_space<semaphore_mem>> -> memref<1x1x!tpu.dma_semaphore, #tpu.memory_space<semaphore_mem>>
      %dma_start3A_261 = tpu.memref_squeeze %dma_start3A_260 : memref<1x1x!tpu.dma_semaphore, #tpu.memory_space<semaphore_mem>> -> memref<!tpu.dma_semaphore, #tpu.memory_space<semaphore_mem>>
      %dma_start3A_262 = arith.constant 0 : i32
      %dma_start3A_263 = arith.constant 0 : i32
      %dma_start3A_264 = tpu.memref_slice %arg8[%select_n3A_215, %dma_start3A_262, %dma_start3A_263] : memref<4x2048x768xf32, #tpu.memory_space<vmem>> -> memref<1x512x768xf32, #tpu.memory_space<vmem>>
      %dma_start3A_265 = tpu.memref_squeeze %dma_start3A_264 : memref<1x512x768xf32, #tpu.memory_space<vmem>> -> memref<512x768xf32, #tpu.memory_space<vmem>>
      %dma_start3A_266 = arith.constant 0 : i32
      %dma_start3A_267 = arith.constant 0 : i32
      %dma_start3A_268 = tpu.memref_slice %arg5[%get3A_21, %dma_start3A_266, %dma_start3A_267] : memref<8x2048x768xf32, #tpu.memory_space<hbm>> -> memref<1x512x768xf32, #tpu.memory_space<hbm>>
      %dma_start3A_269 = tpu.memref_squeeze %dma_start3A_268 : memref<1x512x768xf32, #tpu.memory_space<hbm>> -> memref<512x768xf32, #tpu.memory_space<hbm>>
      tpu.enqueue_dma source(%dma_start3A_269 : memref<512x768xf32, #tpu.memory_space<hbm>>) target(%dma_start3A_265 : memref<512x768xf32, #tpu.memory_space<vmem>>) target_semaphore(%dma_start3A_261 : memref<!tpu.dma_semaphore, #tpu.memory_space<semaphore_mem>>)
      %dma_start3A_270 = arith.constant 1 : i32
      %dma_start3A_271 = tpu.memref_slice %arg12[%select_n3A_215, %dma_start3A_270] : memref<4x4x!tpu.dma_semaphore, #tpu.memory_space<semaphore_mem>> -> memref<1x1x!tpu.dma_semaphore, #tpu.memory_space<semaphore_mem>>
      %dma_start3A_272 = tpu.memref_squeeze %dma_start3A_271 : memref<1x1x!tpu.dma_semaphore, #tpu.memory_space<semaphore_mem>> -> memref<!tpu.dma_semaphore, #tpu.memory_space<semaphore_mem>>
      %dma_start3A_273 = arith.constant 512 : i32
      %dma_start3A_274 = arith.constant 0 : i32
      %dma_start3A_275 = tpu.memref_slice %arg8[%select_n3A_215, %dma_start3A_273, %dma_start3A_274] : memref<4x2048x768xf32, #tpu.memory_space<vmem>> -> memref<1x512x768xf32, #tpu.memory_space<vmem>>
      %dma_start3A_276 = tpu.memref_squeeze %dma_start3A_275 : memref<1x512x768xf32, #tpu.memory_space<vmem>> -> memref<512x768xf32, #tpu.memory_space<vmem>>
      %dma_start3A_277 = arith.constant 512 : i32
      %dma_start3A_278 = arith.constant 0 : i32
      %dma_start3A_279 = tpu.memref_slice %arg5[%get3A_21, %dma_start3A_277, %dma_start3A_278] : memref<8x2048x768xf32, #tpu.memory_space<hbm>> -> memref<1x512x768xf32, #tpu.memory_space<hbm>>
      %dma_start3A_280 = tpu.memref_squeeze %dma_start3A_279 : memref<1x512x768xf32, #tpu.memory_space<hbm>> -> memref<512x768xf32, #tpu.memory_space<hbm>>
      tpu.enqueue_dma source(%dma_start3A_280 : memref<512x768xf32, #tpu.memory_space<hbm>>) target(%dma_start3A_276 : memref<512x768xf32, #tpu.memory_space<vmem>>) target_semaphore(%dma_start3A_272 : memref<!tpu.dma_semaphore, #tpu.memory_space<semaphore_mem>>)
      %dma_start3A_281 = arith.constant 2 : i32
      %dma_start3A_282 = tpu.memref_slice %arg12[%select_n3A_215, %dma_start3A_281] : memref<4x4x!tpu.dma_semaphore, #tpu.memory_space<semaphore_mem>> -> memref<1x1x!tpu.dma_semaphore, #tpu.memory_space<semaphore_mem>>
      %dma_start3A_283 = tpu.memref_squeeze %dma_start3A_282 : memref<1x1x!tpu.dma_semaphore, #tpu.memory_space<semaphore_mem>> -> memref<!tpu.dma_semaphore, #tpu.memory_space<semaphore_mem>>
      %dma_start3A_284 = arith.constant 1024 : i32
      %dma_start3A_285 = arith.constant 0 : i32
      %dma_start3A_286 = tpu.memref_slice %arg8[%select_n3A_215, %dma_start3A_284, %dma_start3A_285] : memref<4x2048x768xf32, #tpu.memory_space<vmem>> -> memref<1x512x768xf32, #tpu.memory_space<vmem>>
      %dma_start3A_287 = tpu.memref_squeeze %dma_start3A_286 : memref<1x512x768xf32, #tpu.memory_space<vmem>> -> memref<512x768xf32, #tpu.memory_space<vmem>>
      %dma_start3A_288 = arith.constant 1024 : i32
      %dma_start3A_289 = arith.constant 0 : i32
      %dma_start3A_290 = tpu.memref_slice %arg5[%get3A_21, %dma_start3A_288, %dma_start3A_289] : memref<8x2048x768xf32, #tpu.memory_space<hbm>> -> memref<1x512x768xf32, #tpu.memory_space<hbm>>
      %dma_start3A_291 = tpu.memref_squeeze %dma_start3A_290 : memref<1x512x768xf32, #tpu.memory_space<hbm>> -> memref<512x768xf32, #tpu.memory_space<hbm>>
      tpu.enqueue_dma source(%dma_start3A_291 : memref<512x768xf32, #tpu.memory_space<hbm>>) target(%dma_start3A_287 : memref<512x768xf32, #tpu.memory_space<vmem>>) target_semaphore(%dma_start3A_283 : memref<!tpu.dma_semaphore, #tpu.memory_space<semaphore_mem>>)
      %dma_start3A_292 = arith.constant 3 : i32
      %dma_start3A_293 = tpu.memref_slice %arg12[%select_n3A_215, %dma_start3A_292] : memref<4x4x!tpu.dma_semaphore, #tpu.memory_space<semaphore_mem>> -> memref<1x1x!tpu.dma_semaphore, #tpu.memory_space<semaphore_mem>>
      %dma_start3A_294 = tpu.memref_squeeze %dma_start3A_293 : memref<1x1x!tpu.dma_semaphore, #tpu.memory_space<semaphore_mem>> -> memref<!tpu.dma_semaphore, #tpu.memory_space<semaphore_mem>>
      %dma_start3A_295 = arith.constant 1536 : i32
      %dma_start3A_296 = arith.constant 0 : i32
      %dma_start3A_297 = tpu.memref_slice %arg8[%select_n3A_215, %dma_start3A_295, %dma_start3A_296] : memref<4x2048x768xf32, #tpu.memory_space<vmem>> -> memref<1x512x768xf32, #tpu.memory_space<vmem>>
      %dma_start3A_298 = tpu.memref_squeeze %dma_start3A_297 : memref<1x512x768xf32, #tpu.memory_space<vmem>> -> memref<512x768xf32, #tpu.memory_space<vmem>>
      %dma_start3A_299 = arith.constant 1536 : i32
      %dma_start3A_300 = arith.constant 0 : i32
      %dma_start3A_301 = tpu.memref_slice %arg5[%get3A_21, %dma_start3A_299, %dma_start3A_300] : memref<8x2048x768xf32, #tpu.memory_space<hbm>> -> memref<1x512x768xf32, #tpu.memory_space<hbm>>
      %dma_start3A_302 = tpu.memref_squeeze %dma_start3A_301 : memref<1x512x768xf32, #tpu.memory_space<hbm>> -> memref<512x768xf32, #tpu.memory_space<hbm>>
      tpu.enqueue_dma source(%dma_start3A_302 : memref<512x768xf32, #tpu.memory_space<hbm>>) target(%dma_start3A_298 : memref<512x768xf32, #tpu.memory_space<vmem>>) target_semaphore(%dma_start3A_294 : memref<!tpu.dma_semaphore, #tpu.memory_space<semaphore_mem>>)
      %swap3A_303 = arith.constant 1 : i32
      %swap3A_304 = arith.index_cast %get3A_21 : i32 to index
      %swap3A_305 = memref.load %arg10[%swap3A_304] : memref<8xi32, #tpu.memory_space<smem>>
      memref.store %swap3A_303, %arg10[%swap3A_304] : memref<8xi32, #tpu.memory_space<smem>>
    } else {
    }
    %add3A_33 = arith.constant 3 : i32
    %add3A_34 = arith.addi %arg0, %add3A_33 : i32
    %min3A_35 = arith.constant 22 : i32
    %min3A_36 = arith.minsi %add3A_34, %min3A_35 : i32
    %get3A_37 = arith.index_cast %min3A_36 : i32 to index
    %get3A_38 = memref.load %arg1[%get3A_37] : memref<23xi32, #tpu.memory_space<smem>>
    %get3A_39 = arith.index_cast %get3A_38 : i32 to index
    %get3A_40 = memref.load %arg10[%get3A_39] : memref<8xi32, #tpu.memory_space<smem>>
    %eq3A_41 = arith.constant 0 : i32
    %eq3A_42 = arith.cmpi eq, %get3A_40, %eq3A_41 : i32
    %add3A_43 = arith.constant 4 : i32
    %add3A_44 = arith.addi %get3A_0, %add3A_43 : i32
    %lt3A_45 = arith.cmpi slt, %get3A_38, %add3A_44 : i32
    %and3A_46 = arith.andi %eq3A_42, %lt3A_45 : i1
    %convert_element_type3A_47 = arith.extui %and3A_46 : i1 to i32
    %cond3A_48 = arith.constant 0 : i32
    %cond3A_49 = arith.cmpi ne, %convert_element_type3A_47, %cond3A_48 : i32
    scf.if %cond3A_49 {
      %jit3A_200 = arith.constant 4 : i32
      %eq3A_201 = arith.constant 0 : i32
      %eq3A_202 = arith.cmpi eq, %jit3A_200, %eq3A_201 : i32
      %jit3A_203 = arith.constant 1 : i32
      %select_n3A_204 = arith.select %eq3A_202, %jit3A_203, %jit3A_200 : i32
      %rem3A_205 = arith.remsi %get3A_38, %select_n3A_204 : i32
      %ne3A_206 = arith.constant 0 : i32
      %ne3A_207 = arith.cmpi ne, %rem3A_205, %ne3A_206 : i32
      %lt3A_208 = arith.constant 0 : i32
      %lt3A_209 = arith.cmpi slt, %rem3A_205, %lt3A_208 : i32
      %lt3A_210 = arith.constant 0 : i32
      %lt3A_211 = arith.cmpi slt, %select_n3A_204, %lt3A_210 : i32
      %ne3A_212 = arith.xori %lt3A_209, %lt3A_211 : i1
      %and3A_213 = arith.andi %ne3A_212, %ne3A_207 : i1
      %add3A_214 = arith.addi %rem3A_205, %select_n3A_204 : i32
      %select_n3A_215 = arith.select %and3A_213, %add3A_214, %rem3A_205 : i32
      %dma_start3A = arith.constant 0 : i32
      %dma_start3A_216 = tpu.memref_slice %arg11[%select_n3A_215, %dma_start3A] : memref<4x4x!tpu.dma_semaphore, #tpu.memory_space<semaphore_mem>> -> memref<1x1x!tpu.dma_semaphore, #tpu.memory_space<semaphore_mem>>
      %dma_start3A_217 = tpu.memref_squeeze %dma_start3A_216 : memref<1x1x!tpu.dma_semaphore, #tpu.memory_space<semaphore_mem>> -> memref<!tpu.dma_semaphore, #tpu.memory_space<semaphore_mem>>
      %dma_start3A_218 = arith.constant 0 : i32
      %dma_start3A_219 = arith.constant 0 : i32
      %dma_start3A_220 = tpu.memref_slice %arg7[%select_n3A_215, %dma_start3A_218, %dma_start3A_219] : memref<4x768x2048xf32, #tpu.memory_space<vmem>> -> memref<1x192x2048xf32, #tpu.memory_space<vmem>>
      %dma_start3A_221 = tpu.memref_squeeze %dma_start3A_220 : memref<1x192x2048xf32, #tpu.memory_space<vmem>> -> memref<192x2048xf32, #tpu.memory_space<vmem>>
      %dma_start3A_222 = arith.constant 0 : i32
      %dma_start3A_223 = arith.constant 0 : i32
      %dma_start3A_224 = tpu.memref_slice %arg4[%get3A_38, %dma_start3A_222, %dma_start3A_223] : memref<8x768x2048xf32, #tpu.memory_space<hbm>> -> memref<1x192x2048xf32, #tpu.memory_space<hbm>>
      %dma_start3A_225 = tpu.memref_squeeze %dma_start3A_224 : memref<1x192x2048xf32, #tpu.memory_space<hbm>> -> memref<192x2048xf32, #tpu.memory_space<hbm>>
      tpu.enqueue_dma source(%dma_start3A_225 : memref<192x2048xf32, #tpu.memory_space<hbm>>) target(%dma_start3A_221 : memref<192x2048xf32, #tpu.memory_space<vmem>>) target_semaphore(%dma_start3A_217 : memref<!tpu.dma_semaphore, #tpu.memory_space<semaphore_mem>>)
      %dma_start3A_226 = arith.constant 1 : i32
      %dma_start3A_227 = tpu.memref_slice %arg11[%select_n3A_215, %dma_start3A_226] : memref<4x4x!tpu.dma_semaphore, #tpu.memory_space<semaphore_mem>> -> memref<1x1x!tpu.dma_semaphore, #tpu.memory_space<semaphore_mem>>
      %dma_start3A_228 = tpu.memref_squeeze %dma_start3A_227 : memref<1x1x!tpu.dma_semaphore, #tpu.memory_space<semaphore_mem>> -> memref<!tpu.dma_semaphore, #tpu.memory_space<semaphore_mem>>
      %dma_start3A_229 = arith.constant 192 : i32
      %dma_start3A_230 = arith.constant 0 : i32
      %dma_start3A_231 = tpu.memref_slice %arg7[%select_n3A_215, %dma_start3A_229, %dma_start3A_230] : memref<4x768x2048xf32, #tpu.memory_space<vmem>> -> memref<1x192x2048xf32, #tpu.memory_space<vmem>>
      %dma_start3A_232 = tpu.memref_squeeze %dma_start3A_231 : memref<1x192x2048xf32, #tpu.memory_space<vmem>> -> memref<192x2048xf32, #tpu.memory_space<vmem>>
      %dma_start3A_233 = arith.constant 192 : i32
      %dma_start3A_234 = arith.constant 0 : i32
      %dma_start3A_235 = tpu.memref_slice %arg4[%get3A_38, %dma_start3A_233, %dma_start3A_234] : memref<8x768x2048xf32, #tpu.memory_space<hbm>> -> memref<1x192x2048xf32, #tpu.memory_space<hbm>>
      %dma_start3A_236 = tpu.memref_squeeze %dma_start3A_235 : memref<1x192x2048xf32, #tpu.memory_space<hbm>> -> memref<192x2048xf32, #tpu.memory_space<hbm>>
      tpu.enqueue_dma source(%dma_start3A_236 : memref<192x2048xf32, #tpu.memory_space<hbm>>) target(%dma_start3A_232 : memref<192x2048xf32, #tpu.memory_space<vmem>>) target_semaphore(%dma_start3A_228 : memref<!tpu.dma_semaphore, #tpu.memory_space<semaphore_mem>>)
      %dma_start3A_237 = arith.constant 2 : i32
      %dma_start3A_238 = tpu.memref_slice %arg11[%select_n3A_215, %dma_start3A_237] : memref<4x4x!tpu.dma_semaphore, #tpu.memory_space<semaphore_mem>> -> memref<1x1x!tpu.dma_semaphore, #tpu.memory_space<semaphore_mem>>
      %dma_start3A_239 = tpu.memref_squeeze %dma_start3A_238 : memref<1x1x!tpu.dma_semaphore, #tpu.memory_space<semaphore_mem>> -> memref<!tpu.dma_semaphore, #tpu.memory_space<semaphore_mem>>
      %dma_start3A_240 = arith.constant 384 : i32
      %dma_start3A_241 = arith.constant 0 : i32
      %dma_start3A_242 = tpu.memref_slice %arg7[%select_n3A_215, %dma_start3A_240, %dma_start3A_241] : memref<4x768x2048xf32, #tpu.memory_space<vmem>> -> memref<1x192x2048xf32, #tpu.memory_space<vmem>>
      %dma_start3A_243 = tpu.memref_squeeze %dma_start3A_242 : memref<1x192x2048xf32, #tpu.memory_space<vmem>> -> memref<192x2048xf32, #tpu.memory_space<vmem>>
      %dma_start3A_244 = arith.constant 384 : i32
      %dma_start3A_245 = arith.constant 0 : i32
      %dma_start3A_246 = tpu.memref_slice %arg4[%get3A_38, %dma_start3A_244, %dma_start3A_245] : memref<8x768x2048xf32, #tpu.memory_space<hbm>> -> memref<1x192x2048xf32, #tpu.memory_space<hbm>>
      %dma_start3A_247 = tpu.memref_squeeze %dma_start3A_246 : memref<1x192x2048xf32, #tpu.memory_space<hbm>> -> memref<192x2048xf32, #tpu.memory_space<hbm>>
      tpu.enqueue_dma source(%dma_start3A_247 : memref<192x2048xf32, #tpu.memory_space<hbm>>) target(%dma_start3A_243 : memref<192x2048xf32, #tpu.memory_space<vmem>>) target_semaphore(%dma_start3A_239 : memref<!tpu.dma_semaphore, #tpu.memory_space<semaphore_mem>>)
      %dma_start3A_248 = arith.constant 3 : i32
      %dma_start3A_249 = tpu.memref_slice %arg11[%select_n3A_215, %dma_start3A_248] : memref<4x4x!tpu.dma_semaphore, #tpu.memory_space<semaphore_mem>> -> memref<1x1x!tpu.dma_semaphore, #tpu.memory_space<semaphore_mem>>
      %dma_start3A_250 = tpu.memref_squeeze %dma_start3A_249 : memref<1x1x!tpu.dma_semaphore, #tpu.memory_space<semaphore_mem>> -> memref<!tpu.dma_semaphore, #tpu.memory_space<semaphore_mem>>
      %dma_start3A_251 = arith.constant 576 : i32
      %dma_start3A_252 = arith.constant 0 : i32
      %dma_start3A_253 = tpu.memref_slice %arg7[%select_n3A_215, %dma_start3A_251, %dma_start3A_252] : memref<4x768x2048xf32, #tpu.memory_space<vmem>> -> memref<1x192x2048xf32, #tpu.memory_space<vmem>>
      %dma_start3A_254 = tpu.memref_squeeze %dma_start3A_253 : memref<1x192x2048xf32, #tpu.memory_space<vmem>> -> memref<192x2048xf32, #tpu.memory_space<vmem>>
      %dma_start3A_255 = arith.constant 576 : i32
      %dma_start3A_256 = arith.constant 0 : i32
      %dma_start3A_257 = tpu.memref_slice %arg4[%get3A_38, %dma_start3A_255, %dma_start3A_256] : memref<8x768x2048xf32, #tpu.memory_space<hbm>> -> memref<1x192x2048xf32, #tpu.memory_space<hbm>>
      %dma_start3A_258 = tpu.memref_squeeze %dma_start3A_257 : memref<1x192x2048xf32, #tpu.memory_space<hbm>> -> memref<192x2048xf32, #tpu.memory_space<hbm>>
      tpu.enqueue_dma source(%dma_start3A_258 : memref<192x2048xf32, #tpu.memory_space<hbm>>) target(%dma_start3A_254 : memref<192x2048xf32, #tpu.memory_space<vmem>>) target_semaphore(%dma_start3A_250 : memref<!tpu.dma_semaphore, #tpu.memory_space<semaphore_mem>>)
      %dma_start3A_259 = arith.constant 0 : i32
      %dma_start3A_260 = tpu.memref_slice %arg12[%select_n3A_215, %dma_start3A_259] : memref<4x4x!tpu.dma_semaphore, #tpu.memory_space<semaphore_mem>> -> memref<1x1x!tpu.dma_semaphore, #tpu.memory_space<semaphore_mem>>
      %dma_start3A_261 = tpu.memref_squeeze %dma_start3A_260 : memref<1x1x!tpu.dma_semaphore, #tpu.memory_space<semaphore_mem>> -> memref<!tpu.dma_semaphore, #tpu.memory_space<semaphore_mem>>
      %dma_start3A_262 = arith.constant 0 : i32
      %dma_start3A_263 = arith.constant 0 : i32
      %dma_start3A_264 = tpu.memref_slice %arg8[%select_n3A_215, %dma_start3A_262, %dma_start3A_263] : memref<4x2048x768xf32, #tpu.memory_space<vmem>> -> memref<1x512x768xf32, #tpu.memory_space<vmem>>
      %dma_start3A_265 = tpu.memref_squeeze %dma_start3A_264 : memref<1x512x768xf32, #tpu.memory_space<vmem>> -> memref<512x768xf32, #tpu.memory_space<vmem>>
      %dma_start3A_266 = arith.constant 0 : i32
      %dma_start3A_267 = arith.constant 0 : i32
      %dma_start3A_268 = tpu.memref_slice %arg5[%get3A_38, %dma_start3A_266, %dma_start3A_267] : memref<8x2048x768xf32, #tpu.memory_space<hbm>> -> memref<1x512x768xf32, #tpu.memory_space<hbm>>
      %dma_start3A_269 = tpu.memref_squeeze %dma_start3A_268 : memref<1x512x768xf32, #tpu.memory_space<hbm>> -> memref<512x768xf32, #tpu.memory_space<hbm>>
      tpu.enqueue_dma source(%dma_start3A_269 : memref<512x768xf32, #tpu.memory_space<hbm>>) target(%dma_start3A_265 : memref<512x768xf32, #tpu.memory_space<vmem>>) target_semaphore(%dma_start3A_261 : memref<!tpu.dma_semaphore, #tpu.memory_space<semaphore_mem>>)
      %dma_start3A_270 = arith.constant 1 : i32
      %dma_start3A_271 = tpu.memref_slice %arg12[%select_n3A_215, %dma_start3A_270] : memref<4x4x!tpu.dma_semaphore, #tpu.memory_space<semaphore_mem>> -> memref<1x1x!tpu.dma_semaphore, #tpu.memory_space<semaphore_mem>>
      %dma_start3A_272 = tpu.memref_squeeze %dma_start3A_271 : memref<1x1x!tpu.dma_semaphore, #tpu.memory_space<semaphore_mem>> -> memref<!tpu.dma_semaphore, #tpu.memory_space<semaphore_mem>>
      %dma_start3A_273 = arith.constant 512 : i32
      %dma_start3A_274 = arith.constant 0 : i32
      %dma_start3A_275 = tpu.memref_slice %arg8[%select_n3A_215, %dma_start3A_273, %dma_start3A_274] : memref<4x2048x768xf32, #tpu.memory_space<vmem>> -> memref<1x512x768xf32, #tpu.memory_space<vmem>>
      %dma_start3A_276 = tpu.memref_squeeze %dma_start3A_275 : memref<1x512x768xf32, #tpu.memory_space<vmem>> -> memref<512x768xf32, #tpu.memory_space<vmem>>
      %dma_start3A_277 = arith.constant 512 : i32
      %dma_start3A_278 = arith.constant 0 : i32
      %dma_start3A_279 = tpu.memref_slice %arg5[%get3A_38, %dma_start3A_277, %dma_start3A_278] : memref<8x2048x768xf32, #tpu.memory_space<hbm>> -> memref<1x512x768xf32, #tpu.memory_space<hbm>>
      %dma_start3A_280 = tpu.memref_squeeze %dma_start3A_279 : memref<1x512x768xf32, #tpu.memory_space<hbm>> -> memref<512x768xf32, #tpu.memory_space<hbm>>
      tpu.enqueue_dma source(%dma_start3A_280 : memref<512x768xf32, #tpu.memory_space<hbm>>) target(%dma_start3A_276 : memref<512x768xf32, #tpu.memory_space<vmem>>) target_semaphore(%dma_start3A_272 : memref<!tpu.dma_semaphore, #tpu.memory_space<semaphore_mem>>)
      %dma_start3A_281 = arith.constant 2 : i32
      %dma_start3A_282 = tpu.memref_slice %arg12[%select_n3A_215, %dma_start3A_281] : memref<4x4x!tpu.dma_semaphore, #tpu.memory_space<semaphore_mem>> -> memref<1x1x!tpu.dma_semaphore, #tpu.memory_space<semaphore_mem>>
      %dma_start3A_283 = tpu.memref_squeeze %dma_start3A_282 : memref<1x1x!tpu.dma_semaphore, #tpu.memory_space<semaphore_mem>> -> memref<!tpu.dma_semaphore, #tpu.memory_space<semaphore_mem>>
      %dma_start3A_284 = arith.constant 1024 : i32
      %dma_start3A_285 = arith.constant 0 : i32
      %dma_start3A_286 = tpu.memref_slice %arg8[%select_n3A_215, %dma_start3A_284, %dma_start3A_285] : memref<4x2048x768xf32, #tpu.memory_space<vmem>> -> memref<1x512x768xf32, #tpu.memory_space<vmem>>
      %dma_start3A_287 = tpu.memref_squeeze %dma_start3A_286 : memref<1x512x768xf32, #tpu.memory_space<vmem>> -> memref<512x768xf32, #tpu.memory_space<vmem>>
      %dma_start3A_288 = arith.constant 1024 : i32
      %dma_start3A_289 = arith.constant 0 : i32
      %dma_start3A_290 = tpu.memref_slice %arg5[%get3A_38, %dma_start3A_288, %dma_start3A_289] : memref<8x2048x768xf32, #tpu.memory_space<hbm>> -> memref<1x512x768xf32, #tpu.memory_space<hbm>>
      %dma_start3A_291 = tpu.memref_squeeze %dma_start3A_290 : memref<1x512x768xf32, #tpu.memory_space<hbm>> -> memref<512x768xf32, #tpu.memory_space<hbm>>
      tpu.enqueue_dma source(%dma_start3A_291 : memref<512x768xf32, #tpu.memory_space<hbm>>) target(%dma_start3A_287 : memref<512x768xf32, #tpu.memory_space<vmem>>) target_semaphore(%dma_start3A_283 : memref<!tpu.dma_semaphore, #tpu.memory_space<semaphore_mem>>)
      %dma_start3A_292 = arith.constant 3 : i32
      %dma_start3A_293 = tpu.memref_slice %arg12[%select_n3A_215, %dma_start3A_292] : memref<4x4x!tpu.dma_semaphore, #tpu.memory_space<semaphore_mem>> -> memref<1x1x!tpu.dma_semaphore, #tpu.memory_space<semaphore_mem>>
      %dma_start3A_294 = tpu.memref_squeeze %dma_start3A_293 : memref<1x1x!tpu.dma_semaphore, #tpu.memory_space<semaphore_mem>> -> memref<!tpu.dma_semaphore, #tpu.memory_space<semaphore_mem>>
      %dma_start3A_295 = arith.constant 1536 : i32
      %dma_start3A_296 = arith.constant 0 : i32
      %dma_start3A_297 = tpu.memref_slice %arg8[%select_n3A_215, %dma_start3A_295, %dma_start3A_296] : memref<4x2048x768xf32, #tpu.memory_space<vmem>> -> memref<1x512x768xf32, #tpu.memory_space<vmem>>
      %dma_start3A_298 = tpu.memref_squeeze %dma_start3A_297 : memref<1x512x768xf32, #tpu.memory_space<vmem>> -> memref<512x768xf32, #tpu.memory_space<vmem>>
      %dma_start3A_299 = arith.constant 1536 : i32
      %dma_start3A_300 = arith.constant 0 : i32
      %dma_start3A_301 = tpu.memref_slice %arg5[%get3A_38, %dma_start3A_299, %dma_start3A_300] : memref<8x2048x768xf32, #tpu.memory_space<hbm>> -> memref<1x512x768xf32, #tpu.memory_space<hbm>>
      %dma_start3A_302 = tpu.memref_squeeze %dma_start3A_301 : memref<1x512x768xf32, #tpu.memory_space<hbm>> -> memref<512x768xf32, #tpu.memory_space<hbm>>
      tpu.enqueue_dma source(%dma_start3A_302 : memref<512x768xf32, #tpu.memory_space<hbm>>) target(%dma_start3A_298 : memref<512x768xf32, #tpu.memory_space<vmem>>) target_semaphore(%dma_start3A_294 : memref<!tpu.dma_semaphore, #tpu.memory_space<semaphore_mem>>)
      %swap3A_303 = arith.constant 1 : i32
      %swap3A_304 = arith.index_cast %get3A_38 : i32 to index
      %swap3A_305 = memref.load %arg10[%swap3A_304] : memref<8xi32, #tpu.memory_space<smem>>
      memref.store %swap3A_303, %arg10[%swap3A_304] : memref<8xi32, #tpu.memory_space<smem>>
    } else {
    }
    %add3A_50 = arith.constant 4 : i32
    %add3A_51 = arith.addi %arg0, %add3A_50 : i32
    %min3A_52 = arith.constant 22 : i32
    %min3A_53 = arith.minsi %add3A_51, %min3A_52 : i32
    %get3A_54 = arith.index_cast %min3A_53 : i32 to index
    %get3A_55 = memref.load %arg1[%get3A_54] : memref<23xi32, #tpu.memory_space<smem>>
    %get3A_56 = arith.index_cast %get3A_55 : i32 to index
    %get3A_57 = memref.load %arg10[%get3A_56] : memref<8xi32, #tpu.memory_space<smem>>
    %eq3A_58 = arith.constant 0 : i32
    %eq3A_59 = arith.cmpi eq, %get3A_57, %eq3A_58 : i32
    %add3A_60 = arith.constant 4 : i32
    %add3A_61 = arith.addi %get3A_0, %add3A_60 : i32
    %lt3A_62 = arith.cmpi slt, %get3A_55, %add3A_61 : i32
    %and3A_63 = arith.andi %eq3A_59, %lt3A_62 : i1
    %convert_element_type3A_64 = arith.extui %and3A_63 : i1 to i32
    %cond3A_65 = arith.constant 0 : i32
    %cond3A_66 = arith.cmpi ne, %convert_element_type3A_64, %cond3A_65 : i32
    scf.if %cond3A_66 {
      %jit3A_200 = arith.constant 4 : i32
      %eq3A_201 = arith.constant 0 : i32
      %eq3A_202 = arith.cmpi eq, %jit3A_200, %eq3A_201 : i32
      %jit3A_203 = arith.constant 1 : i32
      %select_n3A_204 = arith.select %eq3A_202, %jit3A_203, %jit3A_200 : i32
      %rem3A_205 = arith.remsi %get3A_55, %select_n3A_204 : i32
      %ne3A_206 = arith.constant 0 : i32
      %ne3A_207 = arith.cmpi ne, %rem3A_205, %ne3A_206 : i32
      %lt3A_208 = arith.constant 0 : i32
      %lt3A_209 = arith.cmpi slt, %rem3A_205, %lt3A_208 : i32
      %lt3A_210 = arith.constant 0 : i32
      %lt3A_211 = arith.cmpi slt, %select_n3A_204, %lt3A_210 : i32
      %ne3A_212 = arith.xori %lt3A_209, %lt3A_211 : i1
      %and3A_213 = arith.andi %ne3A_212, %ne3A_207 : i1
      %add3A_214 = arith.addi %rem3A_205, %select_n3A_204 : i32
      %select_n3A_215 = arith.select %and3A_213, %add3A_214, %rem3A_205 : i32
      %dma_start3A = arith.constant 0 : i32
      %dma_start3A_216 = tpu.memref_slice %arg11[%select_n3A_215, %dma_start3A] : memref<4x4x!tpu.dma_semaphore, #tpu.memory_space<semaphore_mem>> -> memref<1x1x!tpu.dma_semaphore, #tpu.memory_space<semaphore_mem>>
      %dma_start3A_217 = tpu.memref_squeeze %dma_start3A_216 : memref<1x1x!tpu.dma_semaphore, #tpu.memory_space<semaphore_mem>> -> memref<!tpu.dma_semaphore, #tpu.memory_space<semaphore_mem>>
      %dma_start3A_218 = arith.constant 0 : i32
      %dma_start3A_219 = arith.constant 0 : i32
      %dma_start3A_220 = tpu.memref_slice %arg7[%select_n3A_215, %dma_start3A_218, %dma_start3A_219] : memref<4x768x2048xf32, #tpu.memory_space<vmem>> -> memref<1x192x2048xf32, #tpu.memory_space<vmem>>
      %dma_start3A_221 = tpu.memref_squeeze %dma_start3A_220 : memref<1x192x2048xf32, #tpu.memory_space<vmem>> -> memref<192x2048xf32, #tpu.memory_space<vmem>>
      %dma_start3A_222 = arith.constant 0 : i32
      %dma_start3A_223 = arith.constant 0 : i32
      %dma_start3A_224 = tpu.memref_slice %arg4[%get3A_55, %dma_start3A_222, %dma_start3A_223] : memref<8x768x2048xf32, #tpu.memory_space<hbm>> -> memref<1x192x2048xf32, #tpu.memory_space<hbm>>
      %dma_start3A_225 = tpu.memref_squeeze %dma_start3A_224 : memref<1x192x2048xf32, #tpu.memory_space<hbm>> -> memref<192x2048xf32, #tpu.memory_space<hbm>>
      tpu.enqueue_dma source(%dma_start3A_225 : memref<192x2048xf32, #tpu.memory_space<hbm>>) target(%dma_start3A_221 : memref<192x2048xf32, #tpu.memory_space<vmem>>) target_semaphore(%dma_start3A_217 : memref<!tpu.dma_semaphore, #tpu.memory_space<semaphore_mem>>)
      %dma_start3A_226 = arith.constant 1 : i32
      %dma_start3A_227 = tpu.memref_slice %arg11[%select_n3A_215, %dma_start3A_226] : memref<4x4x!tpu.dma_semaphore, #tpu.memory_space<semaphore_mem>> -> memref<1x1x!tpu.dma_semaphore, #tpu.memory_space<semaphore_mem>>
      %dma_start3A_228 = tpu.memref_squeeze %dma_start3A_227 : memref<1x1x!tpu.dma_semaphore, #tpu.memory_space<semaphore_mem>> -> memref<!tpu.dma_semaphore, #tpu.memory_space<semaphore_mem>>
      %dma_start3A_229 = arith.constant 192 : i32
      %dma_start3A_230 = arith.constant 0 : i32
      %dma_start3A_231 = tpu.memref_slice %arg7[%select_n3A_215, %dma_start3A_229, %dma_start3A_230] : memref<4x768x2048xf32, #tpu.memory_space<vmem>> -> memref<1x192x2048xf32, #tpu.memory_space<vmem>>
      %dma_start3A_232 = tpu.memref_squeeze %dma_start3A_231 : memref<1x192x2048xf32, #tpu.memory_space<vmem>> -> memref<192x2048xf32, #tpu.memory_space<vmem>>
      %dma_start3A_233 = arith.constant 192 : i32
      %dma_start3A_234 = arith.constant 0 : i32
      %dma_start3A_235 = tpu.memref_slice %arg4[%get3A_55, %dma_start3A_233, %dma_start3A_234] : memref<8x768x2048xf32, #tpu.memory_space<hbm>> -> memref<1x192x2048xf32, #tpu.memory_space<hbm>>
      %dma_start3A_236 = tpu.memref_squeeze %dma_start3A_235 : memref<1x192x2048xf32, #tpu.memory_space<hbm>> -> memref<192x2048xf32, #tpu.memory_space<hbm>>
      tpu.enqueue_dma source(%dma_start3A_236 : memref<192x2048xf32, #tpu.memory_space<hbm>>) target(%dma_start3A_232 : memref<192x2048xf32, #tpu.memory_space<vmem>>) target_semaphore(%dma_start3A_228 : memref<!tpu.dma_semaphore, #tpu.memory_space<semaphore_mem>>)
      %dma_start3A_237 = arith.constant 2 : i32
      %dma_start3A_238 = tpu.memref_slice %arg11[%select_n3A_215, %dma_start3A_237] : memref<4x4x!tpu.dma_semaphore, #tpu.memory_space<semaphore_mem>> -> memref<1x1x!tpu.dma_semaphore, #tpu.memory_space<semaphore_mem>>
      %dma_start3A_239 = tpu.memref_squeeze %dma_start3A_238 : memref<1x1x!tpu.dma_semaphore, #tpu.memory_space<semaphore_mem>> -> memref<!tpu.dma_semaphore, #tpu.memory_space<semaphore_mem>>
      %dma_start3A_240 = arith.constant 384 : i32
      %dma_start3A_241 = arith.constant 0 : i32
      %dma_start3A_242 = tpu.memref_slice %arg7[%select_n3A_215, %dma_start3A_240, %dma_start3A_241] : memref<4x768x2048xf32, #tpu.memory_space<vmem>> -> memref<1x192x2048xf32, #tpu.memory_space<vmem>>
      %dma_start3A_243 = tpu.memref_squeeze %dma_start3A_242 : memref<1x192x2048xf32, #tpu.memory_space<vmem>> -> memref<192x2048xf32, #tpu.memory_space<vmem>>
      %dma_start3A_244 = arith.constant 384 : i32
      %dma_start3A_245 = arith.constant 0 : i32
      %dma_start3A_246 = tpu.memref_slice %arg4[%get3A_55, %dma_start3A_244, %dma_start3A_245] : memref<8x768x2048xf32, #tpu.memory_space<hbm>> -> memref<1x192x2048xf32, #tpu.memory_space<hbm>>
      %dma_start3A_247 = tpu.memref_squeeze %dma_start3A_246 : memref<1x192x2048xf32, #tpu.memory_space<hbm>> -> memref<192x2048xf32, #tpu.memory_space<hbm>>
      tpu.enqueue_dma source(%dma_start3A_247 : memref<192x2048xf32, #tpu.memory_space<hbm>>) target(%dma_start3A_243 : memref<192x2048xf32, #tpu.memory_space<vmem>>) target_semaphore(%dma_start3A_239 : memref<!tpu.dma_semaphore, #tpu.memory_space<semaphore_mem>>)
      %dma_start3A_248 = arith.constant 3 : i32
      %dma_start3A_249 = tpu.memref_slice %arg11[%select_n3A_215, %dma_start3A_248] : memref<4x4x!tpu.dma_semaphore, #tpu.memory_space<semaphore_mem>> -> memref<1x1x!tpu.dma_semaphore, #tpu.memory_space<semaphore_mem>>
      %dma_start3A_250 = tpu.memref_squeeze %dma_start3A_249 : memref<1x1x!tpu.dma_semaphore, #tpu.memory_space<semaphore_mem>> -> memref<!tpu.dma_semaphore, #tpu.memory_space<semaphore_mem>>
      %dma_start3A_251 = arith.constant 576 : i32
      %dma_start3A_252 = arith.constant 0 : i32
      %dma_start3A_253 = tpu.memref_slice %arg7[%select_n3A_215, %dma_start3A_251, %dma_start3A_252] : memref<4x768x2048xf32, #tpu.memory_space<vmem>> -> memref<1x192x2048xf32, #tpu.memory_space<vmem>>
      %dma_start3A_254 = tpu.memref_squeeze %dma_start3A_253 : memref<1x192x2048xf32, #tpu.memory_space<vmem>> -> memref<192x2048xf32, #tpu.memory_space<vmem>>
      %dma_start3A_255 = arith.constant 576 : i32
      %dma_start3A_256 = arith.constant 0 : i32
      %dma_start3A_257 = tpu.memref_slice %arg4[%get3A_55, %dma_start3A_255, %dma_start3A_256] : memref<8x768x2048xf32, #tpu.memory_space<hbm>> -> memref<1x192x2048xf32, #tpu.memory_space<hbm>>
      %dma_start3A_258 = tpu.memref_squeeze %dma_start3A_257 : memref<1x192x2048xf32, #tpu.memory_space<hbm>> -> memref<192x2048xf32, #tpu.memory_space<hbm>>
      tpu.enqueue_dma source(%dma_start3A_258 : memref<192x2048xf32, #tpu.memory_space<hbm>>) target(%dma_start3A_254 : memref<192x2048xf32, #tpu.memory_space<vmem>>) target_semaphore(%dma_start3A_250 : memref<!tpu.dma_semaphore, #tpu.memory_space<semaphore_mem>>)
      %dma_start3A_259 = arith.constant 0 : i32
      %dma_start3A_260 = tpu.memref_slice %arg12[%select_n3A_215, %dma_start3A_259] : memref<4x4x!tpu.dma_semaphore, #tpu.memory_space<semaphore_mem>> -> memref<1x1x!tpu.dma_semaphore, #tpu.memory_space<semaphore_mem>>
      %dma_start3A_261 = tpu.memref_squeeze %dma_start3A_260 : memref<1x1x!tpu.dma_semaphore, #tpu.memory_space<semaphore_mem>> -> memref<!tpu.dma_semaphore, #tpu.memory_space<semaphore_mem>>
      %dma_start3A_262 = arith.constant 0 : i32
      %dma_start3A_263 = arith.constant 0 : i32
      %dma_start3A_264 = tpu.memref_slice %arg8[%select_n3A_215, %dma_start3A_262, %dma_start3A_263] : memref<4x2048x768xf32, #tpu.memory_space<vmem>> -> memref<1x512x768xf32, #tpu.memory_space<vmem>>
      %dma_start3A_265 = tpu.memref_squeeze %dma_start3A_264 : memref<1x512x768xf32, #tpu.memory_space<vmem>> -> memref<512x768xf32, #tpu.memory_space<vmem>>
      %dma_start3A_266 = arith.constant 0 : i32
      %dma_start3A_267 = arith.constant 0 : i32
      %dma_start3A_268 = tpu.memref_slice %arg5[%get3A_55, %dma_start3A_266, %dma_start3A_267] : memref<8x2048x768xf32, #tpu.memory_space<hbm>> -> memref<1x512x768xf32, #tpu.memory_space<hbm>>
      %dma_start3A_269 = tpu.memref_squeeze %dma_start3A_268 : memref<1x512x768xf32, #tpu.memory_space<hbm>> -> memref<512x768xf32, #tpu.memory_space<hbm>>
      tpu.enqueue_dma source(%dma_start3A_269 : memref<512x768xf32, #tpu.memory_space<hbm>>) target(%dma_start3A_265 : memref<512x768xf32, #tpu.memory_space<vmem>>) target_semaphore(%dma_start3A_261 : memref<!tpu.dma_semaphore, #tpu.memory_space<semaphore_mem>>)
      %dma_start3A_270 = arith.constant 1 : i32
      %dma_start3A_271 = tpu.memref_slice %arg12[%select_n3A_215, %dma_start3A_270] : memref<4x4x!tpu.dma_semaphore, #tpu.memory_space<semaphore_mem>> -> memref<1x1x!tpu.dma_semaphore, #tpu.memory_space<semaphore_mem>>
      %dma_start3A_272 = tpu.memref_squeeze %dma_start3A_271 : memref<1x1x!tpu.dma_semaphore, #tpu.memory_space<semaphore_mem>> -> memref<!tpu.dma_semaphore, #tpu.memory_space<semaphore_mem>>
      %dma_start3A_273 = arith.constant 512 : i32
      %dma_start3A_274 = arith.constant 0 : i32
      %dma_start3A_275 = tpu.memref_slice %arg8[%select_n3A_215, %dma_start3A_273, %dma_start3A_274] : memref<4x2048x768xf32, #tpu.memory_space<vmem>> -> memref<1x512x768xf32, #tpu.memory_space<vmem>>
      %dma_start3A_276 = tpu.memref_squeeze %dma_start3A_275 : memref<1x512x768xf32, #tpu.memory_space<vmem>> -> memref<512x768xf32, #tpu.memory_space<vmem>>
      %dma_start3A_277 = arith.constant 512 : i32
      %dma_start3A_278 = arith.constant 0 : i32
      %dma_start3A_279 = tpu.memref_slice %arg5[%get3A_55, %dma_start3A_277, %dma_start3A_278] : memref<8x2048x768xf32, #tpu.memory_space<hbm>> -> memref<1x512x768xf32, #tpu.memory_space<hbm>>
      %dma_start3A_280 = tpu.memref_squeeze %dma_start3A_279 : memref<1x512x768xf32, #tpu.memory_space<hbm>> -> memref<512x768xf32, #tpu.memory_space<hbm>>
      tpu.enqueue_dma source(%dma_start3A_280 : memref<512x768xf32, #tpu.memory_space<hbm>>) target(%dma_start3A_276 : memref<512x768xf32, #tpu.memory_space<vmem>>) target_semaphore(%dma_start3A_272 : memref<!tpu.dma_semaphore, #tpu.memory_space<semaphore_mem>>)
      %dma_start3A_281 = arith.constant 2 : i32
      %dma_start3A_282 = tpu.memref_slice %arg12[%select_n3A_215, %dma_start3A_281] : memref<4x4x!tpu.dma_semaphore, #tpu.memory_space<semaphore_mem>> -> memref<1x1x!tpu.dma_semaphore, #tpu.memory_space<semaphore_mem>>
      %dma_start3A_283 = tpu.memref_squeeze %dma_start3A_282 : memref<1x1x!tpu.dma_semaphore, #tpu.memory_space<semaphore_mem>> -> memref<!tpu.dma_semaphore, #tpu.memory_space<semaphore_mem>>
      %dma_start3A_284 = arith.constant 1024 : i32
      %dma_start3A_285 = arith.constant 0 : i32
      %dma_start3A_286 = tpu.memref_slice %arg8[%select_n3A_215, %dma_start3A_284, %dma_start3A_285] : memref<4x2048x768xf32, #tpu.memory_space<vmem>> -> memref<1x512x768xf32, #tpu.memory_space<vmem>>
      %dma_start3A_287 = tpu.memref_squeeze %dma_start3A_286 : memref<1x512x768xf32, #tpu.memory_space<vmem>> -> memref<512x768xf32, #tpu.memory_space<vmem>>
      %dma_start3A_288 = arith.constant 1024 : i32
      %dma_start3A_289 = arith.constant 0 : i32
      %dma_start3A_290 = tpu.memref_slice %arg5[%get3A_55, %dma_start3A_288, %dma_start3A_289] : memref<8x2048x768xf32, #tpu.memory_space<hbm>> -> memref<1x512x768xf32, #tpu.memory_space<hbm>>
      %dma_start3A_291 = tpu.memref_squeeze %dma_start3A_290 : memref<1x512x768xf32, #tpu.memory_space<hbm>> -> memref<512x768xf32, #tpu.memory_space<hbm>>
      tpu.enqueue_dma source(%dma_start3A_291 : memref<512x768xf32, #tpu.memory_space<hbm>>) target(%dma_start3A_287 : memref<512x768xf32, #tpu.memory_space<vmem>>) target_semaphore(%dma_start3A_283 : memref<!tpu.dma_semaphore, #tpu.memory_space<semaphore_mem>>)
      %dma_start3A_292 = arith.constant 3 : i32
      %dma_start3A_293 = tpu.memref_slice %arg12[%select_n3A_215, %dma_start3A_292] : memref<4x4x!tpu.dma_semaphore, #tpu.memory_space<semaphore_mem>> -> memref<1x1x!tpu.dma_semaphore, #tpu.memory_space<semaphore_mem>>
      %dma_start3A_294 = tpu.memref_squeeze %dma_start3A_293 : memref<1x1x!tpu.dma_semaphore, #tpu.memory_space<semaphore_mem>> -> memref<!tpu.dma_semaphore, #tpu.memory_space<semaphore_mem>>
      %dma_start3A_295 = arith.constant 1536 : i32
      %dma_start3A_296 = arith.constant 0 : i32
      %dma_start3A_297 = tpu.memref_slice %arg8[%select_n3A_215, %dma_start3A_295, %dma_start3A_296] : memref<4x2048x768xf32, #tpu.memory_space<vmem>> -> memref<1x512x768xf32, #tpu.memory_space<vmem>>
      %dma_start3A_298 = tpu.memref_squeeze %dma_start3A_297 : memref<1x512x768xf32, #tpu.memory_space<vmem>> -> memref<512x768xf32, #tpu.memory_space<vmem>>
      %dma_start3A_299 = arith.constant 1536 : i32
      %dma_start3A_300 = arith.constant 0 : i32
      %dma_start3A_301 = tpu.memref_slice %arg5[%get3A_55, %dma_start3A_299, %dma_start3A_300] : memref<8x2048x768xf32, #tpu.memory_space<hbm>> -> memref<1x512x768xf32, #tpu.memory_space<hbm>>
      %dma_start3A_302 = tpu.memref_squeeze %dma_start3A_301 : memref<1x512x768xf32, #tpu.memory_space<hbm>> -> memref<512x768xf32, #tpu.memory_space<hbm>>
      tpu.enqueue_dma source(%dma_start3A_302 : memref<512x768xf32, #tpu.memory_space<hbm>>) target(%dma_start3A_298 : memref<512x768xf32, #tpu.memory_space<vmem>>) target_semaphore(%dma_start3A_294 : memref<!tpu.dma_semaphore, #tpu.memory_space<semaphore_mem>>)
      %swap3A_303 = arith.constant 1 : i32
      %swap3A_304 = arith.index_cast %get3A_55 : i32 to index
      %swap3A_305 = memref.load %arg10[%swap3A_304] : memref<8xi32, #tpu.memory_space<smem>>
      memref.store %swap3A_303, %arg10[%swap3A_304] : memref<8xi32, #tpu.memory_space<smem>>
    } else {
    }
    %add3A_67 = arith.constant 5 : i32
    %add3A_68 = arith.addi %arg0, %add3A_67 : i32
    %min3A_69 = arith.constant 22 : i32
    %min3A_70 = arith.minsi %add3A_68, %min3A_69 : i32
    %get3A_71 = arith.index_cast %min3A_70 : i32 to index
    %get3A_72 = memref.load %arg1[%get3A_71] : memref<23xi32, #tpu.memory_space<smem>>
    %get3A_73 = arith.index_cast %get3A_72 : i32 to index
    %get3A_74 = memref.load %arg10[%get3A_73] : memref<8xi32, #tpu.memory_space<smem>>
    %eq3A_75 = arith.constant 0 : i32
    %eq3A_76 = arith.cmpi eq, %get3A_74, %eq3A_75 : i32
    %add3A_77 = arith.constant 4 : i32
    %add3A_78 = arith.addi %get3A_0, %add3A_77 : i32
    %lt3A_79 = arith.cmpi slt, %get3A_72, %add3A_78 : i32
    %and3A_80 = arith.andi %eq3A_76, %lt3A_79 : i1
    %convert_element_type3A_81 = arith.extui %and3A_80 : i1 to i32
    %cond3A_82 = arith.constant 0 : i32
    %cond3A_83 = arith.cmpi ne, %convert_element_type3A_81, %cond3A_82 : i32
    scf.if %cond3A_83 {
      %jit3A_200 = arith.constant 4 : i32
      %eq3A_201 = arith.constant 0 : i32
      %eq3A_202 = arith.cmpi eq, %jit3A_200, %eq3A_201 : i32
      %jit3A_203 = arith.constant 1 : i32
      %select_n3A_204 = arith.select %eq3A_202, %jit3A_203, %jit3A_200 : i32
      %rem3A_205 = arith.remsi %get3A_72, %select_n3A_204 : i32
      %ne3A_206 = arith.constant 0 : i32
      %ne3A_207 = arith.cmpi ne, %rem3A_205, %ne3A_206 : i32
      %lt3A_208 = arith.constant 0 : i32
      %lt3A_209 = arith.cmpi slt, %rem3A_205, %lt3A_208 : i32
      %lt3A_210 = arith.constant 0 : i32
      %lt3A_211 = arith.cmpi slt, %select_n3A_204, %lt3A_210 : i32
      %ne3A_212 = arith.xori %lt3A_209, %lt3A_211 : i1
      %and3A_213 = arith.andi %ne3A_212, %ne3A_207 : i1
      %add3A_214 = arith.addi %rem3A_205, %select_n3A_204 : i32
      %select_n3A_215 = arith.select %and3A_213, %add3A_214, %rem3A_205 : i32
      %dma_start3A = arith.constant 0 : i32
      %dma_start3A_216 = tpu.memref_slice %arg11[%select_n3A_215, %dma_start3A] : memref<4x4x!tpu.dma_semaphore, #tpu.memory_space<semaphore_mem>> -> memref<1x1x!tpu.dma_semaphore, #tpu.memory_space<semaphore_mem>>
      %dma_start3A_217 = tpu.memref_squeeze %dma_start3A_216 : memref<1x1x!tpu.dma_semaphore, #tpu.memory_space<semaphore_mem>> -> memref<!tpu.dma_semaphore, #tpu.memory_space<semaphore_mem>>
      %dma_start3A_218 = arith.constant 0 : i32
      %dma_start3A_219 = arith.constant 0 : i32
      %dma_start3A_220 = tpu.memref_slice %arg7[%select_n3A_215, %dma_start3A_218, %dma_start3A_219] : memref<4x768x2048xf32, #tpu.memory_space<vmem>> -> memref<1x192x2048xf32, #tpu.memory_space<vmem>>
      %dma_start3A_221 = tpu.memref_squeeze %dma_start3A_220 : memref<1x192x2048xf32, #tpu.memory_space<vmem>> -> memref<192x2048xf32, #tpu.memory_space<vmem>>
      %dma_start3A_222 = arith.constant 0 : i32
      %dma_start3A_223 = arith.constant 0 : i32
      %dma_start3A_224 = tpu.memref_slice %arg4[%get3A_72, %dma_start3A_222, %dma_start3A_223] : memref<8x768x2048xf32, #tpu.memory_space<hbm>> -> memref<1x192x2048xf32, #tpu.memory_space<hbm>>
      %dma_start3A_225 = tpu.memref_squeeze %dma_start3A_224 : memref<1x192x2048xf32, #tpu.memory_space<hbm>> -> memref<192x2048xf32, #tpu.memory_space<hbm>>
      tpu.enqueue_dma source(%dma_start3A_225 : memref<192x2048xf32, #tpu.memory_space<hbm>>) target(%dma_start3A_221 : memref<192x2048xf32, #tpu.memory_space<vmem>>) target_semaphore(%dma_start3A_217 : memref<!tpu.dma_semaphore, #tpu.memory_space<semaphore_mem>>)
      %dma_start3A_226 = arith.constant 1 : i32
      %dma_start3A_227 = tpu.memref_slice %arg11[%select_n3A_215, %dma_start3A_226] : memref<4x4x!tpu.dma_semaphore, #tpu.memory_space<semaphore_mem>> -> memref<1x1x!tpu.dma_semaphore, #tpu.memory_space<semaphore_mem>>
      %dma_start3A_228 = tpu.memref_squeeze %dma_start3A_227 : memref<1x1x!tpu.dma_semaphore, #tpu.memory_space<semaphore_mem>> -> memref<!tpu.dma_semaphore, #tpu.memory_space<semaphore_mem>>
      %dma_start3A_229 = arith.constant 192 : i32
      %dma_start3A_230 = arith.constant 0 : i32
      %dma_start3A_231 = tpu.memref_slice %arg7[%select_n3A_215, %dma_start3A_229, %dma_start3A_230] : memref<4x768x2048xf32, #tpu.memory_space<vmem>> -> memref<1x192x2048xf32, #tpu.memory_space<vmem>>
      %dma_start3A_232 = tpu.memref_squeeze %dma_start3A_231 : memref<1x192x2048xf32, #tpu.memory_space<vmem>> -> memref<192x2048xf32, #tpu.memory_space<vmem>>
      %dma_start3A_233 = arith.constant 192 : i32
      %dma_start3A_234 = arith.constant 0 : i32
      %dma_start3A_235 = tpu.memref_slice %arg4[%get3A_72, %dma_start3A_233, %dma_start3A_234] : memref<8x768x2048xf32, #tpu.memory_space<hbm>> -> memref<1x192x2048xf32, #tpu.memory_space<hbm>>
      %dma_start3A_236 = tpu.memref_squeeze %dma_start3A_235 : memref<1x192x2048xf32, #tpu.memory_space<hbm>> -> memref<192x2048xf32, #tpu.memory_space<hbm>>
      tpu.enqueue_dma source(%dma_start3A_236 : memref<192x2048xf32, #tpu.memory_space<hbm>>) target(%dma_start3A_232 : memref<192x2048xf32, #tpu.memory_space<vmem>>) target_semaphore(%dma_start3A_228 : memref<!tpu.dma_semaphore, #tpu.memory_space<semaphore_mem>>)
      %dma_start3A_237 = arith.constant 2 : i32
      %dma_start3A_238 = tpu.memref_slice %arg11[%select_n3A_215, %dma_start3A_237] : memref<4x4x!tpu.dma_semaphore, #tpu.memory_space<semaphore_mem>> -> memref<1x1x!tpu.dma_semaphore, #tpu.memory_space<semaphore_mem>>
      %dma_start3A_239 = tpu.memref_squeeze %dma_start3A_238 : memref<1x1x!tpu.dma_semaphore, #tpu.memory_space<semaphore_mem>> -> memref<!tpu.dma_semaphore, #tpu.memory_space<semaphore_mem>>
      %dma_start3A_240 = arith.constant 384 : i32
      %dma_start3A_241 = arith.constant 0 : i32
      %dma_start3A_242 = tpu.memref_slice %arg7[%select_n3A_215, %dma_start3A_240, %dma_start3A_241] : memref<4x768x2048xf32, #tpu.memory_space<vmem>> -> memref<1x192x2048xf32, #tpu.memory_space<vmem>>
      %dma_start3A_243 = tpu.memref_squeeze %dma_start3A_242 : memref<1x192x2048xf32, #tpu.memory_space<vmem>> -> memref<192x2048xf32, #tpu.memory_space<vmem>>
      %dma_start3A_244 = arith.constant 384 : i32
      %dma_start3A_245 = arith.constant 0 : i32
      %dma_start3A_246 = tpu.memref_slice %arg4[%get3A_72, %dma_start3A_244, %dma_start3A_245] : memref<8x768x2048xf32, #tpu.memory_space<hbm>> -> memref<1x192x2048xf32, #tpu.memory_space<hbm>>
      %dma_start3A_247 = tpu.memref_squeeze %dma_start3A_246 : memref<1x192x2048xf32, #tpu.memory_space<hbm>> -> memref<192x2048xf32, #tpu.memory_space<hbm>>
      tpu.enqueue_dma source(%dma_start3A_247 : memref<192x2048xf32, #tpu.memory_space<hbm>>) target(%dma_start3A_243 : memref<192x2048xf32, #tpu.memory_space<vmem>>) target_semaphore(%dma_start3A_239 : memref<!tpu.dma_semaphore, #tpu.memory_space<semaphore_mem>>)
      %dma_start3A_248 = arith.constant 3 : i32
      %dma_start3A_249 = tpu.memref_slice %arg11[%select_n3A_215, %dma_start3A_248] : memref<4x4x!tpu.dma_semaphore, #tpu.memory_space<semaphore_mem>> -> memref<1x1x!tpu.dma_semaphore, #tpu.memory_space<semaphore_mem>>
      %dma_start3A_250 = tpu.memref_squeeze %dma_start3A_249 : memref<1x1x!tpu.dma_semaphore, #tpu.memory_space<semaphore_mem>> -> memref<!tpu.dma_semaphore, #tpu.memory_space<semaphore_mem>>
      %dma_start3A_251 = arith.constant 576 : i32
      %dma_start3A_252 = arith.constant 0 : i32
      %dma_start3A_253 = tpu.memref_slice %arg7[%select_n3A_215, %dma_start3A_251, %dma_start3A_252] : memref<4x768x2048xf32, #tpu.memory_space<vmem>> -> memref<1x192x2048xf32, #tpu.memory_space<vmem>>
      %dma_start3A_254 = tpu.memref_squeeze %dma_start3A_253 : memref<1x192x2048xf32, #tpu.memory_space<vmem>> -> memref<192x2048xf32, #tpu.memory_space<vmem>>
      %dma_start3A_255 = arith.constant 576 : i32
      %dma_start3A_256 = arith.constant 0 : i32
      %dma_start3A_257 = tpu.memref_slice %arg4[%get3A_72, %dma_start3A_255, %dma_start3A_256] : memref<8x768x2048xf32, #tpu.memory_space<hbm>> -> memref<1x192x2048xf32, #tpu.memory_space<hbm>>
      %dma_start3A_258 = tpu.memref_squeeze %dma_start3A_257 : memref<1x192x2048xf32, #tpu.memory_space<hbm>> -> memref<192x2048xf32, #tpu.memory_space<hbm>>
      tpu.enqueue_dma source(%dma_start3A_258 : memref<192x2048xf32, #tpu.memory_space<hbm>>) target(%dma_start3A_254 : memref<192x2048xf32, #tpu.memory_space<vmem>>) target_semaphore(%dma_start3A_250 : memref<!tpu.dma_semaphore, #tpu.memory_space<semaphore_mem>>)
      %dma_start3A_259 = arith.constant 0 : i32
      %dma_start3A_260 = tpu.memref_slice %arg12[%select_n3A_215, %dma_start3A_259] : memref<4x4x!tpu.dma_semaphore, #tpu.memory_space<semaphore_mem>> -> memref<1x1x!tpu.dma_semaphore, #tpu.memory_space<semaphore_mem>>
      %dma_start3A_261 = tpu.memref_squeeze %dma_start3A_260 : memref<1x1x!tpu.dma_semaphore, #tpu.memory_space<semaphore_mem>> -> memref<!tpu.dma_semaphore, #tpu.memory_space<semaphore_mem>>
      %dma_start3A_262 = arith.constant 0 : i32
      %dma_start3A_263 = arith.constant 0 : i32
      %dma_start3A_264 = tpu.memref_slice %arg8[%select_n3A_215, %dma_start3A_262, %dma_start3A_263] : memref<4x2048x768xf32, #tpu.memory_space<vmem>> -> memref<1x512x768xf32, #tpu.memory_space<vmem>>
      %dma_start3A_265 = tpu.memref_squeeze %dma_start3A_264 : memref<1x512x768xf32, #tpu.memory_space<vmem>> -> memref<512x768xf32, #tpu.memory_space<vmem>>
      %dma_start3A_266 = arith.constant 0 : i32
      %dma_start3A_267 = arith.constant 0 : i32
      %dma_start3A_268 = tpu.memref_slice %arg5[%get3A_72, %dma_start3A_266, %dma_start3A_267] : memref<8x2048x768xf32, #tpu.memory_space<hbm>> -> memref<1x512x768xf32, #tpu.memory_space<hbm>>
      %dma_start3A_269 = tpu.memref_squeeze %dma_start3A_268 : memref<1x512x768xf32, #tpu.memory_space<hbm>> -> memref<512x768xf32, #tpu.memory_space<hbm>>
      tpu.enqueue_dma source(%dma_start3A_269 : memref<512x768xf32, #tpu.memory_space<hbm>>) target(%dma_start3A_265 : memref<512x768xf32, #tpu.memory_space<vmem>>) target_semaphore(%dma_start3A_261 : memref<!tpu.dma_semaphore, #tpu.memory_space<semaphore_mem>>)
      %dma_start3A_270 = arith.constant 1 : i32
      %dma_start3A_271 = tpu.memref_slice %arg12[%select_n3A_215, %dma_start3A_270] : memref<4x4x!tpu.dma_semaphore, #tpu.memory_space<semaphore_mem>> -> memref<1x1x!tpu.dma_semaphore, #tpu.memory_space<semaphore_mem>>
      %dma_start3A_272 = tpu.memref_squeeze %dma_start3A_271 : memref<1x1x!tpu.dma_semaphore, #tpu.memory_space<semaphore_mem>> -> memref<!tpu.dma_semaphore, #tpu.memory_space<semaphore_mem>>
      %dma_start3A_273 = arith.constant 512 : i32
      %dma_start3A_274 = arith.constant 0 : i32
      %dma_start3A_275 = tpu.memref_slice %arg8[%select_n3A_215, %dma_start3A_273, %dma_start3A_274] : memref<4x2048x768xf32, #tpu.memory_space<vmem>> -> memref<1x512x768xf32, #tpu.memory_space<vmem>>
      %dma_start3A_276 = tpu.memref_squeeze %dma_start3A_275 : memref<1x512x768xf32, #tpu.memory_space<vmem>> -> memref<512x768xf32, #tpu.memory_space<vmem>>
      %dma_start3A_277 = arith.constant 512 : i32
      %dma_start3A_278 = arith.constant 0 : i32
      %dma_start3A_279 = tpu.memref_slice %arg5[%get3A_72, %dma_start3A_277, %dma_start3A_278] : memref<8x2048x768xf32, #tpu.memory_space<hbm>> -> memref<1x512x768xf32, #tpu.memory_space<hbm>>
      %dma_start3A_280 = tpu.memref_squeeze %dma_start3A_279 : memref<1x512x768xf32, #tpu.memory_space<hbm>> -> memref<512x768xf32, #tpu.memory_space<hbm>>
      tpu.enqueue_dma source(%dma_start3A_280 : memref<512x768xf32, #tpu.memory_space<hbm>>) target(%dma_start3A_276 : memref<512x768xf32, #tpu.memory_space<vmem>>) target_semaphore(%dma_start3A_272 : memref<!tpu.dma_semaphore, #tpu.memory_space<semaphore_mem>>)
      %dma_start3A_281 = arith.constant 2 : i32
      %dma_start3A_282 = tpu.memref_slice %arg12[%select_n3A_215, %dma_start3A_281] : memref<4x4x!tpu.dma_semaphore, #tpu.memory_space<semaphore_mem>> -> memref<1x1x!tpu.dma_semaphore, #tpu.memory_space<semaphore_mem>>
      %dma_start3A_283 = tpu.memref_squeeze %dma_start3A_282 : memref<1x1x!tpu.dma_semaphore, #tpu.memory_space<semaphore_mem>> -> memref<!tpu.dma_semaphore, #tpu.memory_space<semaphore_mem>>
      %dma_start3A_284 = arith.constant 1024 : i32
      %dma_start3A_285 = arith.constant 0 : i32
      %dma_start3A_286 = tpu.memref_slice %arg8[%select_n3A_215, %dma_start3A_284, %dma_start3A_285] : memref<4x2048x768xf32, #tpu.memory_space<vmem>> -> memref<1x512x768xf32, #tpu.memory_space<vmem>>
      %dma_start3A_287 = tpu.memref_squeeze %dma_start3A_286 : memref<1x512x768xf32, #tpu.memory_space<vmem>> -> memref<512x768xf32, #tpu.memory_space<vmem>>
      %dma_start3A_288 = arith.constant 1024 : i32
      %dma_start3A_289 = arith.constant 0 : i32
      %dma_start3A_290 = tpu.memref_slice %arg5[%get3A_72, %dma_start3A_288, %dma_start3A_289] : memref<8x2048x768xf32, #tpu.memory_space<hbm>> -> memref<1x512x768xf32, #tpu.memory_space<hbm>>
      %dma_start3A_291 = tpu.memref_squeeze %dma_start3A_290 : memref<1x512x768xf32, #tpu.memory_space<hbm>> -> memref<512x768xf32, #tpu.memory_space<hbm>>
      tpu.enqueue_dma source(%dma_start3A_291 : memref<512x768xf32, #tpu.memory_space<hbm>>) target(%dma_start3A_287 : memref<512x768xf32, #tpu.memory_space<vmem>>) target_semaphore(%dma_start3A_283 : memref<!tpu.dma_semaphore, #tpu.memory_space<semaphore_mem>>)
      %dma_start3A_292 = arith.constant 3 : i32
      %dma_start3A_293 = tpu.memref_slice %arg12[%select_n3A_215, %dma_start3A_292] : memref<4x4x!tpu.dma_semaphore, #tpu.memory_space<semaphore_mem>> -> memref<1x1x!tpu.dma_semaphore, #tpu.memory_space<semaphore_mem>>
      %dma_start3A_294 = tpu.memref_squeeze %dma_start3A_293 : memref<1x1x!tpu.dma_semaphore, #tpu.memory_space<semaphore_mem>> -> memref<!tpu.dma_semaphore, #tpu.memory_space<semaphore_mem>>
      %dma_start3A_295 = arith.constant 1536 : i32
      %dma_start3A_296 = arith.constant 0 : i32
      %dma_start3A_297 = tpu.memref_slice %arg8[%select_n3A_215, %dma_start3A_295, %dma_start3A_296] : memref<4x2048x768xf32, #tpu.memory_space<vmem>> -> memref<1x512x768xf32, #tpu.memory_space<vmem>>
      %dma_start3A_298 = tpu.memref_squeeze %dma_start3A_297 : memref<1x512x768xf32, #tpu.memory_space<vmem>> -> memref<512x768xf32, #tpu.memory_space<vmem>>
      %dma_start3A_299 = arith.constant 1536 : i32
      %dma_start3A_300 = arith.constant 0 : i32
      %dma_start3A_301 = tpu.memref_slice %arg5[%get3A_72, %dma_start3A_299, %dma_start3A_300] : memref<8x2048x768xf32, #tpu.memory_space<hbm>> -> memref<1x512x768xf32, #tpu.memory_space<hbm>>
      %dma_start3A_302 = tpu.memref_squeeze %dma_start3A_301 : memref<1x512x768xf32, #tpu.memory_space<hbm>> -> memref<512x768xf32, #tpu.memory_space<hbm>>
      tpu.enqueue_dma source(%dma_start3A_302 : memref<512x768xf32, #tpu.memory_space<hbm>>) target(%dma_start3A_298 : memref<512x768xf32, #tpu.memory_space<vmem>>) target_semaphore(%dma_start3A_294 : memref<!tpu.dma_semaphore, #tpu.memory_space<semaphore_mem>>)
      %swap3A_303 = arith.constant 1 : i32
      %swap3A_304 = arith.index_cast %get3A_72 : i32 to index
      %swap3A_305 = memref.load %arg10[%swap3A_304] : memref<8xi32, #tpu.memory_space<smem>>
      memref.store %swap3A_303, %arg10[%swap3A_304] : memref<8xi32, #tpu.memory_space<smem>>
    } else {
    }
    %add3A_84 = arith.constant 6 : i32
    %add3A_85 = arith.addi %arg0, %add3A_84 : i32
    %min3A_86 = arith.constant 22 : i32
    %min3A_87 = arith.minsi %add3A_85, %min3A_86 : i32
    %get3A_88 = arith.index_cast %min3A_87 : i32 to index
    %get3A_89 = memref.load %arg1[%get3A_88] : memref<23xi32, #tpu.memory_space<smem>>
    %get3A_90 = arith.index_cast %get3A_89 : i32 to index
    %get3A_91 = memref.load %arg10[%get3A_90] : memref<8xi32, #tpu.memory_space<smem>>
    %eq3A_92 = arith.constant 0 : i32
    %eq3A_93 = arith.cmpi eq, %get3A_91, %eq3A_92 : i32
    %add3A_94 = arith.constant 4 : i32
    %add3A_95 = arith.addi %get3A_0, %add3A_94 : i32
    %lt3A_96 = arith.cmpi slt, %get3A_89, %add3A_95 : i32
    %and3A_97 = arith.andi %eq3A_93, %lt3A_96 : i1
    %convert_element_type3A_98 = arith.extui %and3A_97 : i1 to i32
    %cond3A_99 = arith.constant 0 : i32
    %cond3A_100 = arith.cmpi ne, %convert_element_type3A_98, %cond3A_99 : i32
    scf.if %cond3A_100 {
      %jit3A_200 = arith.constant 4 : i32
      %eq3A_201 = arith.constant 0 : i32
      %eq3A_202 = arith.cmpi eq, %jit3A_200, %eq3A_201 : i32
      %jit3A_203 = arith.constant 1 : i32
      %select_n3A_204 = arith.select %eq3A_202, %jit3A_203, %jit3A_200 : i32
      %rem3A_205 = arith.remsi %get3A_89, %select_n3A_204 : i32
      %ne3A_206 = arith.constant 0 : i32
      %ne3A_207 = arith.cmpi ne, %rem3A_205, %ne3A_206 : i32
      %lt3A_208 = arith.constant 0 : i32
      %lt3A_209 = arith.cmpi slt, %rem3A_205, %lt3A_208 : i32
      %lt3A_210 = arith.constant 0 : i32
      %lt3A_211 = arith.cmpi slt, %select_n3A_204, %lt3A_210 : i32
      %ne3A_212 = arith.xori %lt3A_209, %lt3A_211 : i1
      %and3A_213 = arith.andi %ne3A_212, %ne3A_207 : i1
      %add3A_214 = arith.addi %rem3A_205, %select_n3A_204 : i32
      %select_n3A_215 = arith.select %and3A_213, %add3A_214, %rem3A_205 : i32
      %dma_start3A = arith.constant 0 : i32
      %dma_start3A_216 = tpu.memref_slice %arg11[%select_n3A_215, %dma_start3A] : memref<4x4x!tpu.dma_semaphore, #tpu.memory_space<semaphore_mem>> -> memref<1x1x!tpu.dma_semaphore, #tpu.memory_space<semaphore_mem>>
      %dma_start3A_217 = tpu.memref_squeeze %dma_start3A_216 : memref<1x1x!tpu.dma_semaphore, #tpu.memory_space<semaphore_mem>> -> memref<!tpu.dma_semaphore, #tpu.memory_space<semaphore_mem>>
      %dma_start3A_218 = arith.constant 0 : i32
      %dma_start3A_219 = arith.constant 0 : i32
      %dma_start3A_220 = tpu.memref_slice %arg7[%select_n3A_215, %dma_start3A_218, %dma_start3A_219] : memref<4x768x2048xf32, #tpu.memory_space<vmem>> -> memref<1x192x2048xf32, #tpu.memory_space<vmem>>
      %dma_start3A_221 = tpu.memref_squeeze %dma_start3A_220 : memref<1x192x2048xf32, #tpu.memory_space<vmem>> -> memref<192x2048xf32, #tpu.memory_space<vmem>>
      %dma_start3A_222 = arith.constant 0 : i32
      %dma_start3A_223 = arith.constant 0 : i32
      %dma_start3A_224 = tpu.memref_slice %arg4[%get3A_89, %dma_start3A_222, %dma_start3A_223] : memref<8x768x2048xf32, #tpu.memory_space<hbm>> -> memref<1x192x2048xf32, #tpu.memory_space<hbm>>
      %dma_start3A_225 = tpu.memref_squeeze %dma_start3A_224 : memref<1x192x2048xf32, #tpu.memory_space<hbm>> -> memref<192x2048xf32, #tpu.memory_space<hbm>>
      tpu.enqueue_dma source(%dma_start3A_225 : memref<192x2048xf32, #tpu.memory_space<hbm>>) target(%dma_start3A_221 : memref<192x2048xf32, #tpu.memory_space<vmem>>) target_semaphore(%dma_start3A_217 : memref<!tpu.dma_semaphore, #tpu.memory_space<semaphore_mem>>)
      %dma_start3A_226 = arith.constant 1 : i32
      %dma_start3A_227 = tpu.memref_slice %arg11[%select_n3A_215, %dma_start3A_226] : memref<4x4x!tpu.dma_semaphore, #tpu.memory_space<semaphore_mem>> -> memref<1x1x!tpu.dma_semaphore, #tpu.memory_space<semaphore_mem>>
      %dma_start3A_228 = tpu.memref_squeeze %dma_start3A_227 : memref<1x1x!tpu.dma_semaphore, #tpu.memory_space<semaphore_mem>> -> memref<!tpu.dma_semaphore, #tpu.memory_space<semaphore_mem>>
      %dma_start3A_229 = arith.constant 192 : i32
      %dma_start3A_230 = arith.constant 0 : i32
      %dma_start3A_231 = tpu.memref_slice %arg7[%select_n3A_215, %dma_start3A_229, %dma_start3A_230] : memref<4x768x2048xf32, #tpu.memory_space<vmem>> -> memref<1x192x2048xf32, #tpu.memory_space<vmem>>
      %dma_start3A_232 = tpu.memref_squeeze %dma_start3A_231 : memref<1x192x2048xf32, #tpu.memory_space<vmem>> -> memref<192x2048xf32, #tpu.memory_space<vmem>>
      %dma_start3A_233 = arith.constant 192 : i32
      %dma_start3A_234 = arith.constant 0 : i32
      %dma_start3A_235 = tpu.memref_slice %arg4[%get3A_89, %dma_start3A_233, %dma_start3A_234] : memref<8x768x2048xf32, #tpu.memory_space<hbm>> -> memref<1x192x2048xf32, #tpu.memory_space<hbm>>
      %dma_start3A_236 = tpu.memref_squeeze %dma_start3A_235 : memref<1x192x2048xf32, #tpu.memory_space<hbm>> -> memref<192x2048xf32, #tpu.memory_space<hbm>>
      tpu.enqueue_dma source(%dma_start3A_236 : memref<192x2048xf32, #tpu.memory_space<hbm>>) target(%dma_start3A_232 : memref<192x2048xf32, #tpu.memory_space<vmem>>) target_semaphore(%dma_start3A_228 : memref<!tpu.dma_semaphore, #tpu.memory_space<semaphore_mem>>)
      %dma_start3A_237 = arith.constant 2 : i32
      %dma_start3A_238 = tpu.memref_slice %arg11[%select_n3A_215, %dma_start3A_237] : memref<4x4x!tpu.dma_semaphore, #tpu.memory_space<semaphore_mem>> -> memref<1x1x!tpu.dma_semaphore, #tpu.memory_space<semaphore_mem>>
      %dma_start3A_239 = tpu.memref_squeeze %dma_start3A_238 : memref<1x1x!tpu.dma_semaphore, #tpu.memory_space<semaphore_mem>> -> memref<!tpu.dma_semaphore, #tpu.memory_space<semaphore_mem>>
      %dma_start3A_240 = arith.constant 384 : i32
      %dma_start3A_241 = arith.constant 0 : i32
      %dma_start3A_242 = tpu.memref_slice %arg7[%select_n3A_215, %dma_start3A_240, %dma_start3A_241] : memref<4x768x2048xf32, #tpu.memory_space<vmem>> -> memref<1x192x2048xf32, #tpu.memory_space<vmem>>
      %dma_start3A_243 = tpu.memref_squeeze %dma_start3A_242 : memref<1x192x2048xf32, #tpu.memory_space<vmem>> -> memref<192x2048xf32, #tpu.memory_space<vmem>>
      %dma_start3A_244 = arith.constant 384 : i32
      %dma_start3A_245 = arith.constant 0 : i32
      %dma_start3A_246 = tpu.memref_slice %arg4[%get3A_89, %dma_start3A_244, %dma_start3A_245] : memref<8x768x2048xf32, #tpu.memory_space<hbm>> -> memref<1x192x2048xf32, #tpu.memory_space<hbm>>
      %dma_start3A_247 = tpu.memref_squeeze %dma_start3A_246 : memref<1x192x2048xf32, #tpu.memory_space<hbm>> -> memref<192x2048xf32, #tpu.memory_space<hbm>>
      tpu.enqueue_dma source(%dma_start3A_247 : memref<192x2048xf32, #tpu.memory_space<hbm>>) target(%dma_start3A_243 : memref<192x2048xf32, #tpu.memory_space<vmem>>) target_semaphore(%dma_start3A_239 : memref<!tpu.dma_semaphore, #tpu.memory_space<semaphore_mem>>)
      %dma_start3A_248 = arith.constant 3 : i32
      %dma_start3A_249 = tpu.memref_slice %arg11[%select_n3A_215, %dma_start3A_248] : memref<4x4x!tpu.dma_semaphore, #tpu.memory_space<semaphore_mem>> -> memref<1x1x!tpu.dma_semaphore, #tpu.memory_space<semaphore_mem>>
      %dma_start3A_250 = tpu.memref_squeeze %dma_start3A_249 : memref<1x1x!tpu.dma_semaphore, #tpu.memory_space<semaphore_mem>> -> memref<!tpu.dma_semaphore, #tpu.memory_space<semaphore_mem>>
      %dma_start3A_251 = arith.constant 576 : i32
      %dma_start3A_252 = arith.constant 0 : i32
      %dma_start3A_253 = tpu.memref_slice %arg7[%select_n3A_215, %dma_start3A_251, %dma_start3A_252] : memref<4x768x2048xf32, #tpu.memory_space<vmem>> -> memref<1x192x2048xf32, #tpu.memory_space<vmem>>
      %dma_start3A_254 = tpu.memref_squeeze %dma_start3A_253 : memref<1x192x2048xf32, #tpu.memory_space<vmem>> -> memref<192x2048xf32, #tpu.memory_space<vmem>>
      %dma_start3A_255 = arith.constant 576 : i32
      %dma_start3A_256 = arith.constant 0 : i32
      %dma_start3A_257 = tpu.memref_slice %arg4[%get3A_89, %dma_start3A_255, %dma_start3A_256] : memref<8x768x2048xf32, #tpu.memory_space<hbm>> -> memref<1x192x2048xf32, #tpu.memory_space<hbm>>
      %dma_start3A_258 = tpu.memref_squeeze %dma_start3A_257 : memref<1x192x2048xf32, #tpu.memory_space<hbm>> -> memref<192x2048xf32, #tpu.memory_space<hbm>>
      tpu.enqueue_dma source(%dma_start3A_258 : memref<192x2048xf32, #tpu.memory_space<hbm>>) target(%dma_start3A_254 : memref<192x2048xf32, #tpu.memory_space<vmem>>) target_semaphore(%dma_start3A_250 : memref<!tpu.dma_semaphore, #tpu.memory_space<semaphore_mem>>)
      %dma_start3A_259 = arith.constant 0 : i32
      %dma_start3A_260 = tpu.memref_slice %arg12[%select_n3A_215, %dma_start3A_259] : memref<4x4x!tpu.dma_semaphore, #tpu.memory_space<semaphore_mem>> -> memref<1x1x!tpu.dma_semaphore, #tpu.memory_space<semaphore_mem>>
      %dma_start3A_261 = tpu.memref_squeeze %dma_start3A_260 : memref<1x1x!tpu.dma_semaphore, #tpu.memory_space<semaphore_mem>> -> memref<!tpu.dma_semaphore, #tpu.memory_space<semaphore_mem>>
      %dma_start3A_262 = arith.constant 0 : i32
      %dma_start3A_263 = arith.constant 0 : i32
      %dma_start3A_264 = tpu.memref_slice %arg8[%select_n3A_215, %dma_start3A_262, %dma_start3A_263] : memref<4x2048x768xf32, #tpu.memory_space<vmem>> -> memref<1x512x768xf32, #tpu.memory_space<vmem>>
      %dma_start3A_265 = tpu.memref_squeeze %dma_start3A_264 : memref<1x512x768xf32, #tpu.memory_space<vmem>> -> memref<512x768xf32, #tpu.memory_space<vmem>>
      %dma_start3A_266 = arith.constant 0 : i32
      %dma_start3A_267 = arith.constant 0 : i32
      %dma_start3A_268 = tpu.memref_slice %arg5[%get3A_89, %dma_start3A_266, %dma_start3A_267] : memref<8x2048x768xf32, #tpu.memory_space<hbm>> -> memref<1x512x768xf32, #tpu.memory_space<hbm>>
      %dma_start3A_269 = tpu.memref_squeeze %dma_start3A_268 : memref<1x512x768xf32, #tpu.memory_space<hbm>> -> memref<512x768xf32, #tpu.memory_space<hbm>>
      tpu.enqueue_dma source(%dma_start3A_269 : memref<512x768xf32, #tpu.memory_space<hbm>>) target(%dma_start3A_265 : memref<512x768xf32, #tpu.memory_space<vmem>>) target_semaphore(%dma_start3A_261 : memref<!tpu.dma_semaphore, #tpu.memory_space<semaphore_mem>>)
      %dma_start3A_270 = arith.constant 1 : i32
      %dma_start3A_271 = tpu.memref_slice %arg12[%select_n3A_215, %dma_start3A_270] : memref<4x4x!tpu.dma_semaphore, #tpu.memory_space<semaphore_mem>> -> memref<1x1x!tpu.dma_semaphore, #tpu.memory_space<semaphore_mem>>
      %dma_start3A_272 = tpu.memref_squeeze %dma_start3A_271 : memref<1x1x!tpu.dma_semaphore, #tpu.memory_space<semaphore_mem>> -> memref<!tpu.dma_semaphore, #tpu.memory_space<semaphore_mem>>
      %dma_start3A_273 = arith.constant 512 : i32
      %dma_start3A_274 = arith.constant 0 : i32
      %dma_start3A_275 = tpu.memref_slice %arg8[%select_n3A_215, %dma_start3A_273, %dma_start3A_274] : memref<4x2048x768xf32, #tpu.memory_space<vmem>> -> memref<1x512x768xf32, #tpu.memory_space<vmem>>
      %dma_start3A_276 = tpu.memref_squeeze %dma_start3A_275 : memref<1x512x768xf32, #tpu.memory_space<vmem>> -> memref<512x768xf32, #tpu.memory_space<vmem>>
      %dma_start3A_277 = arith.constant 512 : i32
      %dma_start3A_278 = arith.constant 0 : i32
      %dma_start3A_279 = tpu.memref_slice %arg5[%get3A_89, %dma_start3A_277, %dma_start3A_278] : memref<8x2048x768xf32, #tpu.memory_space<hbm>> -> memref<1x512x768xf32, #tpu.memory_space<hbm>>
      %dma_start3A_280 = tpu.memref_squeeze %dma_start3A_279 : memref<1x512x768xf32, #tpu.memory_space<hbm>> -> memref<512x768xf32, #tpu.memory_space<hbm>>
      tpu.enqueue_dma source(%dma_start3A_280 : memref<512x768xf32, #tpu.memory_space<hbm>>) target(%dma_start3A_276 : memref<512x768xf32, #tpu.memory_space<vmem>>) target_semaphore(%dma_start3A_272 : memref<!tpu.dma_semaphore, #tpu.memory_space<semaphore_mem>>)
      %dma_start3A_281 = arith.constant 2 : i32
      %dma_start3A_282 = tpu.memref_slice %arg12[%select_n3A_215, %dma_start3A_281] : memref<4x4x!tpu.dma_semaphore, #tpu.memory_space<semaphore_mem>> -> memref<1x1x!tpu.dma_semaphore, #tpu.memory_space<semaphore_mem>>
      %dma_start3A_283 = tpu.memref_squeeze %dma_start3A_282 : memref<1x1x!tpu.dma_semaphore, #tpu.memory_space<semaphore_mem>> -> memref<!tpu.dma_semaphore, #tpu.memory_space<semaphore_mem>>
      %dma_start3A_284 = arith.constant 1024 : i32
      %dma_start3A_285 = arith.constant 0 : i32
      %dma_start3A_286 = tpu.memref_slice %arg8[%select_n3A_215, %dma_start3A_284, %dma_start3A_285] : memref<4x2048x768xf32, #tpu.memory_space<vmem>> -> memref<1x512x768xf32, #tpu.memory_space<vmem>>
      %dma_start3A_287 = tpu.memref_squeeze %dma_start3A_286 : memref<1x512x768xf32, #tpu.memory_space<vmem>> -> memref<512x768xf32, #tpu.memory_space<vmem>>
      %dma_start3A_288 = arith.constant 1024 : i32
      %dma_start3A_289 = arith.constant 0 : i32
      %dma_start3A_290 = tpu.memref_slice %arg5[%get3A_89, %dma_start3A_288, %dma_start3A_289] : memref<8x2048x768xf32, #tpu.memory_space<hbm>> -> memref<1x512x768xf32, #tpu.memory_space<hbm>>
      %dma_start3A_291 = tpu.memref_squeeze %dma_start3A_290 : memref<1x512x768xf32, #tpu.memory_space<hbm>> -> memref<512x768xf32, #tpu.memory_space<hbm>>
      tpu.enqueue_dma source(%dma_start3A_291 : memref<512x768xf32, #tpu.memory_space<hbm>>) target(%dma_start3A_287 : memref<512x768xf32, #tpu.memory_space<vmem>>) target_semaphore(%dma_start3A_283 : memref<!tpu.dma_semaphore, #tpu.memory_space<semaphore_mem>>)
      %dma_start3A_292 = arith.constant 3 : i32
      %dma_start3A_293 = tpu.memref_slice %arg12[%select_n3A_215, %dma_start3A_292] : memref<4x4x!tpu.dma_semaphore, #tpu.memory_space<semaphore_mem>> -> memref<1x1x!tpu.dma_semaphore, #tpu.memory_space<semaphore_mem>>
      %dma_start3A_294 = tpu.memref_squeeze %dma_start3A_293 : memref<1x1x!tpu.dma_semaphore, #tpu.memory_space<semaphore_mem>> -> memref<!tpu.dma_semaphore, #tpu.memory_space<semaphore_mem>>
      %dma_start3A_295 = arith.constant 1536 : i32
      %dma_start3A_296 = arith.constant 0 : i32
      %dma_start3A_297 = tpu.memref_slice %arg8[%select_n3A_215, %dma_start3A_295, %dma_start3A_296] : memref<4x2048x768xf32, #tpu.memory_space<vmem>> -> memref<1x512x768xf32, #tpu.memory_space<vmem>>
      %dma_start3A_298 = tpu.memref_squeeze %dma_start3A_297 : memref<1x512x768xf32, #tpu.memory_space<vmem>> -> memref<512x768xf32, #tpu.memory_space<vmem>>
      %dma_start3A_299 = arith.constant 1536 : i32
      %dma_start3A_300 = arith.constant 0 : i32
      %dma_start3A_301 = tpu.memref_slice %arg5[%get3A_89, %dma_start3A_299, %dma_start3A_300] : memref<8x2048x768xf32, #tpu.memory_space<hbm>> -> memref<1x512x768xf32, #tpu.memory_space<hbm>>
      %dma_start3A_302 = tpu.memref_squeeze %dma_start3A_301 : memref<1x512x768xf32, #tpu.memory_space<hbm>> -> memref<512x768xf32, #tpu.memory_space<hbm>>
      tpu.enqueue_dma source(%dma_start3A_302 : memref<512x768xf32, #tpu.memory_space<hbm>>) target(%dma_start3A_298 : memref<512x768xf32, #tpu.memory_space<vmem>>) target_semaphore(%dma_start3A_294 : memref<!tpu.dma_semaphore, #tpu.memory_space<semaphore_mem>>)
      %swap3A_303 = arith.constant 1 : i32
      %swap3A_304 = arith.index_cast %get3A_89 : i32 to index
      %swap3A_305 = memref.load %arg10[%swap3A_304] : memref<8xi32, #tpu.memory_space<smem>>
      memref.store %swap3A_303, %arg10[%swap3A_304] : memref<8xi32, #tpu.memory_space<smem>>
    } else {
    }
    %add3A_101 = arith.constant 7 : i32
    %add3A_102 = arith.addi %arg0, %add3A_101 : i32
    %min3A_103 = arith.constant 22 : i32
    %min3A_104 = arith.minsi %add3A_102, %min3A_103 : i32
    %get3A_105 = arith.index_cast %min3A_104 : i32 to index
    %get3A_106 = memref.load %arg1[%get3A_105] : memref<23xi32, #tpu.memory_space<smem>>
    %get3A_107 = arith.index_cast %get3A_106 : i32 to index
    %get3A_108 = memref.load %arg10[%get3A_107] : memref<8xi32, #tpu.memory_space<smem>>
    %eq3A_109 = arith.constant 0 : i32
    %eq3A_110 = arith.cmpi eq, %get3A_108, %eq3A_109 : i32
    %add3A_111 = arith.constant 4 : i32
    %add3A_112 = arith.addi %get3A_0, %add3A_111 : i32
    %lt3A_113 = arith.cmpi slt, %get3A_106, %add3A_112 : i32
    %and3A_114 = arith.andi %eq3A_110, %lt3A_113 : i1
    %convert_element_type3A_115 = arith.extui %and3A_114 : i1 to i32
    %cond3A_116 = arith.constant 0 : i32
    %cond3A_117 = arith.cmpi ne, %convert_element_type3A_115, %cond3A_116 : i32
    scf.if %cond3A_117 {
      %jit3A_200 = arith.constant 4 : i32
      %eq3A_201 = arith.constant 0 : i32
      %eq3A_202 = arith.cmpi eq, %jit3A_200, %eq3A_201 : i32
      %jit3A_203 = arith.constant 1 : i32
      %select_n3A_204 = arith.select %eq3A_202, %jit3A_203, %jit3A_200 : i32
      %rem3A_205 = arith.remsi %get3A_106, %select_n3A_204 : i32
      %ne3A_206 = arith.constant 0 : i32
      %ne3A_207 = arith.cmpi ne, %rem3A_205, %ne3A_206 : i32
      %lt3A_208 = arith.constant 0 : i32
      %lt3A_209 = arith.cmpi slt, %rem3A_205, %lt3A_208 : i32
      %lt3A_210 = arith.constant 0 : i32
      %lt3A_211 = arith.cmpi slt, %select_n3A_204, %lt3A_210 : i32
      %ne3A_212 = arith.xori %lt3A_209, %lt3A_211 : i1
      %and3A_213 = arith.andi %ne3A_212, %ne3A_207 : i1
      %add3A_214 = arith.addi %rem3A_205, %select_n3A_204 : i32
      %select_n3A_215 = arith.select %and3A_213, %add3A_214, %rem3A_205 : i32
      %dma_start3A = arith.constant 0 : i32
      %dma_start3A_216 = tpu.memref_slice %arg11[%select_n3A_215, %dma_start3A] : memref<4x4x!tpu.dma_semaphore, #tpu.memory_space<semaphore_mem>> -> memref<1x1x!tpu.dma_semaphore, #tpu.memory_space<semaphore_mem>>
      %dma_start3A_217 = tpu.memref_squeeze %dma_start3A_216 : memref<1x1x!tpu.dma_semaphore, #tpu.memory_space<semaphore_mem>> -> memref<!tpu.dma_semaphore, #tpu.memory_space<semaphore_mem>>
      %dma_start3A_218 = arith.constant 0 : i32
      %dma_start3A_219 = arith.constant 0 : i32
      %dma_start3A_220 = tpu.memref_slice %arg7[%select_n3A_215, %dma_start3A_218, %dma_start3A_219] : memref<4x768x2048xf32, #tpu.memory_space<vmem>> -> memref<1x192x2048xf32, #tpu.memory_space<vmem>>
      %dma_start3A_221 = tpu.memref_squeeze %dma_start3A_220 : memref<1x192x2048xf32, #tpu.memory_space<vmem>> -> memref<192x2048xf32, #tpu.memory_space<vmem>>
      %dma_start3A_222 = arith.constant 0 : i32
      %dma_start3A_223 = arith.constant 0 : i32
      %dma_start3A_224 = tpu.memref_slice %arg4[%get3A_106, %dma_start3A_222, %dma_start3A_223] : memref<8x768x2048xf32, #tpu.memory_space<hbm>> -> memref<1x192x2048xf32, #tpu.memory_space<hbm>>
      %dma_start3A_225 = tpu.memref_squeeze %dma_start3A_224 : memref<1x192x2048xf32, #tpu.memory_space<hbm>> -> memref<192x2048xf32, #tpu.memory_space<hbm>>
      tpu.enqueue_dma source(%dma_start3A_225 : memref<192x2048xf32, #tpu.memory_space<hbm>>) target(%dma_start3A_221 : memref<192x2048xf32, #tpu.memory_space<vmem>>) target_semaphore(%dma_start3A_217 : memref<!tpu.dma_semaphore, #tpu.memory_space<semaphore_mem>>)
      %dma_start3A_226 = arith.constant 1 : i32
      %dma_start3A_227 = tpu.memref_slice %arg11[%select_n3A_215, %dma_start3A_226] : memref<4x4x!tpu.dma_semaphore, #tpu.memory_space<semaphore_mem>> -> memref<1x1x!tpu.dma_semaphore, #tpu.memory_space<semaphore_mem>>
      %dma_start3A_228 = tpu.memref_squeeze %dma_start3A_227 : memref<1x1x!tpu.dma_semaphore, #tpu.memory_space<semaphore_mem>> -> memref<!tpu.dma_semaphore, #tpu.memory_space<semaphore_mem>>
      %dma_start3A_229 = arith.constant 192 : i32
      %dma_start3A_230 = arith.constant 0 : i32
      %dma_start3A_231 = tpu.memref_slice %arg7[%select_n3A_215, %dma_start3A_229, %dma_start3A_230] : memref<4x768x2048xf32, #tpu.memory_space<vmem>> -> memref<1x192x2048xf32, #tpu.memory_space<vmem>>
      %dma_start3A_232 = tpu.memref_squeeze %dma_start3A_231 : memref<1x192x2048xf32, #tpu.memory_space<vmem>> -> memref<192x2048xf32, #tpu.memory_space<vmem>>
      %dma_start3A_233 = arith.constant 192 : i32
      %dma_start3A_234 = arith.constant 0 : i32
      %dma_start3A_235 = tpu.memref_slice %arg4[%get3A_106, %dma_start3A_233, %dma_start3A_234] : memref<8x768x2048xf32, #tpu.memory_space<hbm>> -> memref<1x192x2048xf32, #tpu.memory_space<hbm>>
      %dma_start3A_236 = tpu.memref_squeeze %dma_start3A_235 : memref<1x192x2048xf32, #tpu.memory_space<hbm>> -> memref<192x2048xf32, #tpu.memory_space<hbm>>
      tpu.enqueue_dma source(%dma_start3A_236 : memref<192x2048xf32, #tpu.memory_space<hbm>>) target(%dma_start3A_232 : memref<192x2048xf32, #tpu.memory_space<vmem>>) target_semaphore(%dma_start3A_228 : memref<!tpu.dma_semaphore, #tpu.memory_space<semaphore_mem>>)
      %dma_start3A_237 = arith.constant 2 : i32
      %dma_start3A_238 = tpu.memref_slice %arg11[%select_n3A_215, %dma_start3A_237] : memref<4x4x!tpu.dma_semaphore, #tpu.memory_space<semaphore_mem>> -> memref<1x1x!tpu.dma_semaphore, #tpu.memory_space<semaphore_mem>>
      %dma_start3A_239 = tpu.memref_squeeze %dma_start3A_238 : memref<1x1x!tpu.dma_semaphore, #tpu.memory_space<semaphore_mem>> -> memref<!tpu.dma_semaphore, #tpu.memory_space<semaphore_mem>>
      %dma_start3A_240 = arith.constant 384 : i32
      %dma_start3A_241 = arith.constant 0 : i32
      %dma_start3A_242 = tpu.memref_slice %arg7[%select_n3A_215, %dma_start3A_240, %dma_start3A_241] : memref<4x768x2048xf32, #tpu.memory_space<vmem>> -> memref<1x192x2048xf32, #tpu.memory_space<vmem>>
      %dma_start3A_243 = tpu.memref_squeeze %dma_start3A_242 : memref<1x192x2048xf32, #tpu.memory_space<vmem>> -> memref<192x2048xf32, #tpu.memory_space<vmem>>
      %dma_start3A_244 = arith.constant 384 : i32
      %dma_start3A_245 = arith.constant 0 : i32
      %dma_start3A_246 = tpu.memref_slice %arg4[%get3A_106, %dma_start3A_244, %dma_start3A_245] : memref<8x768x2048xf32, #tpu.memory_space<hbm>> -> memref<1x192x2048xf32, #tpu.memory_space<hbm>>
      %dma_start3A_247 = tpu.memref_squeeze %dma_start3A_246 : memref<1x192x2048xf32, #tpu.memory_space<hbm>> -> memref<192x2048xf32, #tpu.memory_space<hbm>>
      tpu.enqueue_dma source(%dma_start3A_247 : memref<192x2048xf32, #tpu.memory_space<hbm>>) target(%dma_start3A_243 : memref<192x2048xf32, #tpu.memory_space<vmem>>) target_semaphore(%dma_start3A_239 : memref<!tpu.dma_semaphore, #tpu.memory_space<semaphore_mem>>)
      %dma_start3A_248 = arith.constant 3 : i32
      %dma_start3A_249 = tpu.memref_slice %arg11[%select_n3A_215, %dma_start3A_248] : memref<4x4x!tpu.dma_semaphore, #tpu.memory_space<semaphore_mem>> -> memref<1x1x!tpu.dma_semaphore, #tpu.memory_space<semaphore_mem>>
      %dma_start3A_250 = tpu.memref_squeeze %dma_start3A_249 : memref<1x1x!tpu.dma_semaphore, #tpu.memory_space<semaphore_mem>> -> memref<!tpu.dma_semaphore, #tpu.memory_space<semaphore_mem>>
      %dma_start3A_251 = arith.constant 576 : i32
      %dma_start3A_252 = arith.constant 0 : i32
      %dma_start3A_253 = tpu.memref_slice %arg7[%select_n3A_215, %dma_start3A_251, %dma_start3A_252] : memref<4x768x2048xf32, #tpu.memory_space<vmem>> -> memref<1x192x2048xf32, #tpu.memory_space<vmem>>
      %dma_start3A_254 = tpu.memref_squeeze %dma_start3A_253 : memref<1x192x2048xf32, #tpu.memory_space<vmem>> -> memref<192x2048xf32, #tpu.memory_space<vmem>>
      %dma_start3A_255 = arith.constant 576 : i32
      %dma_start3A_256 = arith.constant 0 : i32
      %dma_start3A_257 = tpu.memref_slice %arg4[%get3A_106, %dma_start3A_255, %dma_start3A_256] : memref<8x768x2048xf32, #tpu.memory_space<hbm>> -> memref<1x192x2048xf32, #tpu.memory_space<hbm>>
      %dma_start3A_258 = tpu.memref_squeeze %dma_start3A_257 : memref<1x192x2048xf32, #tpu.memory_space<hbm>> -> memref<192x2048xf32, #tpu.memory_space<hbm>>
      tpu.enqueue_dma source(%dma_start3A_258 : memref<192x2048xf32, #tpu.memory_space<hbm>>) target(%dma_start3A_254 : memref<192x2048xf32, #tpu.memory_space<vmem>>) target_semaphore(%dma_start3A_250 : memref<!tpu.dma_semaphore, #tpu.memory_space<semaphore_mem>>)
      %dma_start3A_259 = arith.constant 0 : i32
      %dma_start3A_260 = tpu.memref_slice %arg12[%select_n3A_215, %dma_start3A_259] : memref<4x4x!tpu.dma_semaphore, #tpu.memory_space<semaphore_mem>> -> memref<1x1x!tpu.dma_semaphore, #tpu.memory_space<semaphore_mem>>
      %dma_start3A_261 = tpu.memref_squeeze %dma_start3A_260 : memref<1x1x!tpu.dma_semaphore, #tpu.memory_space<semaphore_mem>> -> memref<!tpu.dma_semaphore, #tpu.memory_space<semaphore_mem>>
      %dma_start3A_262 = arith.constant 0 : i32
      %dma_start3A_263 = arith.constant 0 : i32
      %dma_start3A_264 = tpu.memref_slice %arg8[%select_n3A_215, %dma_start3A_262, %dma_start3A_263] : memref<4x2048x768xf32, #tpu.memory_space<vmem>> -> memref<1x512x768xf32, #tpu.memory_space<vmem>>
      %dma_start3A_265 = tpu.memref_squeeze %dma_start3A_264 : memref<1x512x768xf32, #tpu.memory_space<vmem>> -> memref<512x768xf32, #tpu.memory_space<vmem>>
      %dma_start3A_266 = arith.constant 0 : i32
      %dma_start3A_267 = arith.constant 0 : i32
      %dma_start3A_268 = tpu.memref_slice %arg5[%get3A_106, %dma_start3A_266, %dma_start3A_267] : memref<8x2048x768xf32, #tpu.memory_space<hbm>> -> memref<1x512x768xf32, #tpu.memory_space<hbm>>
      %dma_start3A_269 = tpu.memref_squeeze %dma_start3A_268 : memref<1x512x768xf32, #tpu.memory_space<hbm>> -> memref<512x768xf32, #tpu.memory_space<hbm>>
      tpu.enqueue_dma source(%dma_start3A_269 : memref<512x768xf32, #tpu.memory_space<hbm>>) target(%dma_start3A_265 : memref<512x768xf32, #tpu.memory_space<vmem>>) target_semaphore(%dma_start3A_261 : memref<!tpu.dma_semaphore, #tpu.memory_space<semaphore_mem>>)
      %dma_start3A_270 = arith.constant 1 : i32
      %dma_start3A_271 = tpu.memref_slice %arg12[%select_n3A_215, %dma_start3A_270] : memref<4x4x!tpu.dma_semaphore, #tpu.memory_space<semaphore_mem>> -> memref<1x1x!tpu.dma_semaphore, #tpu.memory_space<semaphore_mem>>
      %dma_start3A_272 = tpu.memref_squeeze %dma_start3A_271 : memref<1x1x!tpu.dma_semaphore, #tpu.memory_space<semaphore_mem>> -> memref<!tpu.dma_semaphore, #tpu.memory_space<semaphore_mem>>
      %dma_start3A_273 = arith.constant 512 : i32
      %dma_start3A_274 = arith.constant 0 : i32
      %dma_start3A_275 = tpu.memref_slice %arg8[%select_n3A_215, %dma_start3A_273, %dma_start3A_274] : memref<4x2048x768xf32, #tpu.memory_space<vmem>> -> memref<1x512x768xf32, #tpu.memory_space<vmem>>
      %dma_start3A_276 = tpu.memref_squeeze %dma_start3A_275 : memref<1x512x768xf32, #tpu.memory_space<vmem>> -> memref<512x768xf32, #tpu.memory_space<vmem>>
      %dma_start3A_277 = arith.constant 512 : i32
      %dma_start3A_278 = arith.constant 0 : i32
      %dma_start3A_279 = tpu.memref_slice %arg5[%get3A_106, %dma_start3A_277, %dma_start3A_278] : memref<8x2048x768xf32, #tpu.memory_space<hbm>> -> memref<1x512x768xf32, #tpu.memory_space<hbm>>
      %dma_start3A_280 = tpu.memref_squeeze %dma_start3A_279 : memref<1x512x768xf32, #tpu.memory_space<hbm>> -> memref<512x768xf32, #tpu.memory_space<hbm>>
      tpu.enqueue_dma source(%dma_start3A_280 : memref<512x768xf32, #tpu.memory_space<hbm>>) target(%dma_start3A_276 : memref<512x768xf32, #tpu.memory_space<vmem>>) target_semaphore(%dma_start3A_272 : memref<!tpu.dma_semaphore, #tpu.memory_space<semaphore_mem>>)
      %dma_start3A_281 = arith.constant 2 : i32
      %dma_start3A_282 = tpu.memref_slice %arg12[%select_n3A_215, %dma_start3A_281] : memref<4x4x!tpu.dma_semaphore, #tpu.memory_space<semaphore_mem>> -> memref<1x1x!tpu.dma_semaphore, #tpu.memory_space<semaphore_mem>>
      %dma_start3A_283 = tpu.memref_squeeze %dma_start3A_282 : memref<1x1x!tpu.dma_semaphore, #tpu.memory_space<semaphore_mem>> -> memref<!tpu.dma_semaphore, #tpu.memory_space<semaphore_mem>>
      %dma_start3A_284 = arith.constant 1024 : i32
      %dma_start3A_285 = arith.constant 0 : i32
      %dma_start3A_286 = tpu.memref_slice %arg8[%select_n3A_215, %dma_start3A_284, %dma_start3A_285] : memref<4x2048x768xf32, #tpu.memory_space<vmem>> -> memref<1x512x768xf32, #tpu.memory_space<vmem>>
      %dma_start3A_287 = tpu.memref_squeeze %dma_start3A_286 : memref<1x512x768xf32, #tpu.memory_space<vmem>> -> memref<512x768xf32, #tpu.memory_space<vmem>>
      %dma_start3A_288 = arith.constant 1024 : i32
      %dma_start3A_289 = arith.constant 0 : i32
      %dma_start3A_290 = tpu.memref_slice %arg5[%get3A_106, %dma_start3A_288, %dma_start3A_289] : memref<8x2048x768xf32, #tpu.memory_space<hbm>> -> memref<1x512x768xf32, #tpu.memory_space<hbm>>
      %dma_start3A_291 = tpu.memref_squeeze %dma_start3A_290 : memref<1x512x768xf32, #tpu.memory_space<hbm>> -> memref<512x768xf32, #tpu.memory_space<hbm>>
      tpu.enqueue_dma source(%dma_start3A_291 : memref<512x768xf32, #tpu.memory_space<hbm>>) target(%dma_start3A_287 : memref<512x768xf32, #tpu.memory_space<vmem>>) target_semaphore(%dma_start3A_283 : memref<!tpu.dma_semaphore, #tpu.memory_space<semaphore_mem>>)
      %dma_start3A_292 = arith.constant 3 : i32
      %dma_start3A_293 = tpu.memref_slice %arg12[%select_n3A_215, %dma_start3A_292] : memref<4x4x!tpu.dma_semaphore, #tpu.memory_space<semaphore_mem>> -> memref<1x1x!tpu.dma_semaphore, #tpu.memory_space<semaphore_mem>>
      %dma_start3A_294 = tpu.memref_squeeze %dma_start3A_293 : memref<1x1x!tpu.dma_semaphore, #tpu.memory_space<semaphore_mem>> -> memref<!tpu.dma_semaphore, #tpu.memory_space<semaphore_mem>>
      %dma_start3A_295 = arith.constant 1536 : i32
      %dma_start3A_296 = arith.constant 0 : i32
      %dma_start3A_297 = tpu.memref_slice %arg8[%select_n3A_215, %dma_start3A_295, %dma_start3A_296] : memref<4x2048x768xf32, #tpu.memory_space<vmem>> -> memref<1x512x768xf32, #tpu.memory_space<vmem>>
      %dma_start3A_298 = tpu.memref_squeeze %dma_start3A_297 : memref<1x512x768xf32, #tpu.memory_space<vmem>> -> memref<512x768xf32, #tpu.memory_space<vmem>>
      %dma_start3A_299 = arith.constant 1536 : i32
      %dma_start3A_300 = arith.constant 0 : i32
      %dma_start3A_301 = tpu.memref_slice %arg5[%get3A_106, %dma_start3A_299, %dma_start3A_300] : memref<8x2048x768xf32, #tpu.memory_space<hbm>> -> memref<1x512x768xf32, #tpu.memory_space<hbm>>
      %dma_start3A_302 = tpu.memref_squeeze %dma_start3A_301 : memref<1x512x768xf32, #tpu.memory_space<hbm>> -> memref<512x768xf32, #tpu.memory_space<hbm>>
      tpu.enqueue_dma source(%dma_start3A_302 : memref<512x768xf32, #tpu.memory_space<hbm>>) target(%dma_start3A_298 : memref<512x768xf32, #tpu.memory_space<vmem>>) target_semaphore(%dma_start3A_294 : memref<!tpu.dma_semaphore, #tpu.memory_space<semaphore_mem>>)
      %swap3A_303 = arith.constant 1 : i32
      %swap3A_304 = arith.index_cast %get3A_106 : i32 to index
      %swap3A_305 = memref.load %arg10[%swap3A_304] : memref<8xi32, #tpu.memory_space<smem>>
      memref.store %swap3A_303, %arg10[%swap3A_304] : memref<8xi32, #tpu.memory_space<smem>>
    } else {
    }
    %add3A_118 = arith.constant 8 : i32
    %add3A_119 = arith.addi %arg0, %add3A_118 : i32
    %min3A_120 = arith.constant 22 : i32
    %min3A_121 = arith.minsi %add3A_119, %min3A_120 : i32
    %get3A_122 = arith.index_cast %min3A_121 : i32 to index
    %get3A_123 = memref.load %arg1[%get3A_122] : memref<23xi32, #tpu.memory_space<smem>>
    %get3A_124 = arith.index_cast %get3A_123 : i32 to index
    %get3A_125 = memref.load %arg10[%get3A_124] : memref<8xi32, #tpu.memory_space<smem>>
    %eq3A_126 = arith.constant 0 : i32
    %eq3A_127 = arith.cmpi eq, %get3A_125, %eq3A_126 : i32
    %add3A_128 = arith.constant 4 : i32
    %add3A_129 = arith.addi %get3A_0, %add3A_128 : i32
    %lt3A_130 = arith.cmpi slt, %get3A_123, %add3A_129 : i32
    %and3A_131 = arith.andi %eq3A_127, %lt3A_130 : i1
    %convert_element_type3A_132 = arith.extui %and3A_131 : i1 to i32
    %cond3A_133 = arith.constant 0 : i32
    %cond3A_134 = arith.cmpi ne, %convert_element_type3A_132, %cond3A_133 : i32
    scf.if %cond3A_134 {
      %jit3A_200 = arith.constant 4 : i32
      %eq3A_201 = arith.constant 0 : i32
      %eq3A_202 = arith.cmpi eq, %jit3A_200, %eq3A_201 : i32
      %jit3A_203 = arith.constant 1 : i32
      %select_n3A_204 = arith.select %eq3A_202, %jit3A_203, %jit3A_200 : i32
      %rem3A_205 = arith.remsi %get3A_123, %select_n3A_204 : i32
      %ne3A_206 = arith.constant 0 : i32
      %ne3A_207 = arith.cmpi ne, %rem3A_205, %ne3A_206 : i32
      %lt3A_208 = arith.constant 0 : i32
      %lt3A_209 = arith.cmpi slt, %rem3A_205, %lt3A_208 : i32
      %lt3A_210 = arith.constant 0 : i32
      %lt3A_211 = arith.cmpi slt, %select_n3A_204, %lt3A_210 : i32
      %ne3A_212 = arith.xori %lt3A_209, %lt3A_211 : i1
      %and3A_213 = arith.andi %ne3A_212, %ne3A_207 : i1
      %add3A_214 = arith.addi %rem3A_205, %select_n3A_204 : i32
      %select_n3A_215 = arith.select %and3A_213, %add3A_214, %rem3A_205 : i32
      %dma_start3A = arith.constant 0 : i32
      %dma_start3A_216 = tpu.memref_slice %arg11[%select_n3A_215, %dma_start3A] : memref<4x4x!tpu.dma_semaphore, #tpu.memory_space<semaphore_mem>> -> memref<1x1x!tpu.dma_semaphore, #tpu.memory_space<semaphore_mem>>
      %dma_start3A_217 = tpu.memref_squeeze %dma_start3A_216 : memref<1x1x!tpu.dma_semaphore, #tpu.memory_space<semaphore_mem>> -> memref<!tpu.dma_semaphore, #tpu.memory_space<semaphore_mem>>
      %dma_start3A_218 = arith.constant 0 : i32
      %dma_start3A_219 = arith.constant 0 : i32
      %dma_start3A_220 = tpu.memref_slice %arg7[%select_n3A_215, %dma_start3A_218, %dma_start3A_219] : memref<4x768x2048xf32, #tpu.memory_space<vmem>> -> memref<1x192x2048xf32, #tpu.memory_space<vmem>>
      %dma_start3A_221 = tpu.memref_squeeze %dma_start3A_220 : memref<1x192x2048xf32, #tpu.memory_space<vmem>> -> memref<192x2048xf32, #tpu.memory_space<vmem>>
      %dma_start3A_222 = arith.constant 0 : i32
      %dma_start3A_223 = arith.constant 0 : i32
      %dma_start3A_224 = tpu.memref_slice %arg4[%get3A_123, %dma_start3A_222, %dma_start3A_223] : memref<8x768x2048xf32, #tpu.memory_space<hbm>> -> memref<1x192x2048xf32, #tpu.memory_space<hbm>>
      %dma_start3A_225 = tpu.memref_squeeze %dma_start3A_224 : memref<1x192x2048xf32, #tpu.memory_space<hbm>> -> memref<192x2048xf32, #tpu.memory_space<hbm>>
      tpu.enqueue_dma source(%dma_start3A_225 : memref<192x2048xf32, #tpu.memory_space<hbm>>) target(%dma_start3A_221 : memref<192x2048xf32, #tpu.memory_space<vmem>>) target_semaphore(%dma_start3A_217 : memref<!tpu.dma_semaphore, #tpu.memory_space<semaphore_mem>>)
      %dma_start3A_226 = arith.constant 1 : i32
      %dma_start3A_227 = tpu.memref_slice %arg11[%select_n3A_215, %dma_start3A_226] : memref<4x4x!tpu.dma_semaphore, #tpu.memory_space<semaphore_mem>> -> memref<1x1x!tpu.dma_semaphore, #tpu.memory_space<semaphore_mem>>
      %dma_start3A_228 = tpu.memref_squeeze %dma_start3A_227 : memref<1x1x!tpu.dma_semaphore, #tpu.memory_space<semaphore_mem>> -> memref<!tpu.dma_semaphore, #tpu.memory_space<semaphore_mem>>
      %dma_start3A_229 = arith.constant 192 : i32
      %dma_start3A_230 = arith.constant 0 : i32
      %dma_start3A_231 = tpu.memref_slice %arg7[%select_n3A_215, %dma_start3A_229, %dma_start3A_230] : memref<4x768x2048xf32, #tpu.memory_space<vmem>> -> memref<1x192x2048xf32, #tpu.memory_space<vmem>>
      %dma_start3A_232 = tpu.memref_squeeze %dma_start3A_231 : memref<1x192x2048xf32, #tpu.memory_space<vmem>> -> memref<192x2048xf32, #tpu.memory_space<vmem>>
      %dma_start3A_233 = arith.constant 192 : i32
      %dma_start3A_234 = arith.constant 0 : i32
      %dma_start3A_235 = tpu.memref_slice %arg4[%get3A_123, %dma_start3A_233, %dma_start3A_234] : memref<8x768x2048xf32, #tpu.memory_space<hbm>> -> memref<1x192x2048xf32, #tpu.memory_space<hbm>>
      %dma_start3A_236 = tpu.memref_squeeze %dma_start3A_235 : memref<1x192x2048xf32, #tpu.memory_space<hbm>> -> memref<192x2048xf32, #tpu.memory_space<hbm>>
      tpu.enqueue_dma source(%dma_start3A_236 : memref<192x2048xf32, #tpu.memory_space<hbm>>) target(%dma_start3A_232 : memref<192x2048xf32, #tpu.memory_space<vmem>>) target_semaphore(%dma_start3A_228 : memref<!tpu.dma_semaphore, #tpu.memory_space<semaphore_mem>>)
      %dma_start3A_237 = arith.constant 2 : i32
      %dma_start3A_238 = tpu.memref_slice %arg11[%select_n3A_215, %dma_start3A_237] : memref<4x4x!tpu.dma_semaphore, #tpu.memory_space<semaphore_mem>> -> memref<1x1x!tpu.dma_semaphore, #tpu.memory_space<semaphore_mem>>
      %dma_start3A_239 = tpu.memref_squeeze %dma_start3A_238 : memref<1x1x!tpu.dma_semaphore, #tpu.memory_space<semaphore_mem>> -> memref<!tpu.dma_semaphore, #tpu.memory_space<semaphore_mem>>
      %dma_start3A_240 = arith.constant 384 : i32
      %dma_start3A_241 = arith.constant 0 : i32
      %dma_start3A_242 = tpu.memref_slice %arg7[%select_n3A_215, %dma_start3A_240, %dma_start3A_241] : memref<4x768x2048xf32, #tpu.memory_space<vmem>> -> memref<1x192x2048xf32, #tpu.memory_space<vmem>>
      %dma_start3A_243 = tpu.memref_squeeze %dma_start3A_242 : memref<1x192x2048xf32, #tpu.memory_space<vmem>> -> memref<192x2048xf32, #tpu.memory_space<vmem>>
      %dma_start3A_244 = arith.constant 384 : i32
      %dma_start3A_245 = arith.constant 0 : i32
      %dma_start3A_246 = tpu.memref_slice %arg4[%get3A_123, %dma_start3A_244, %dma_start3A_245] : memref<8x768x2048xf32, #tpu.memory_space<hbm>> -> memref<1x192x2048xf32, #tpu.memory_space<hbm>>
      %dma_start3A_247 = tpu.memref_squeeze %dma_start3A_246 : memref<1x192x2048xf32, #tpu.memory_space<hbm>> -> memref<192x2048xf32, #tpu.memory_space<hbm>>
      tpu.enqueue_dma source(%dma_start3A_247 : memref<192x2048xf32, #tpu.memory_space<hbm>>) target(%dma_start3A_243 : memref<192x2048xf32, #tpu.memory_space<vmem>>) target_semaphore(%dma_start3A_239 : memref<!tpu.dma_semaphore, #tpu.memory_space<semaphore_mem>>)
      %dma_start3A_248 = arith.constant 3 : i32
      %dma_start3A_249 = tpu.memref_slice %arg11[%select_n3A_215, %dma_start3A_248] : memref<4x4x!tpu.dma_semaphore, #tpu.memory_space<semaphore_mem>> -> memref<1x1x!tpu.dma_semaphore, #tpu.memory_space<semaphore_mem>>
      %dma_start3A_250 = tpu.memref_squeeze %dma_start3A_249 : memref<1x1x!tpu.dma_semaphore, #tpu.memory_space<semaphore_mem>> -> memref<!tpu.dma_semaphore, #tpu.memory_space<semaphore_mem>>
      %dma_start3A_251 = arith.constant 576 : i32
      %dma_start3A_252 = arith.constant 0 : i32
      %dma_start3A_253 = tpu.memref_slice %arg7[%select_n3A_215, %dma_start3A_251, %dma_start3A_252] : memref<4x768x2048xf32, #tpu.memory_space<vmem>> -> memref<1x192x2048xf32, #tpu.memory_space<vmem>>
      %dma_start3A_254 = tpu.memref_squeeze %dma_start3A_253 : memref<1x192x2048xf32, #tpu.memory_space<vmem>> -> memref<192x2048xf32, #tpu.memory_space<vmem>>
      %dma_start3A_255 = arith.constant 576 : i32
      %dma_start3A_256 = arith.constant 0 : i32
      %dma_start3A_257 = tpu.memref_slice %arg4[%get3A_123, %dma_start3A_255, %dma_start3A_256] : memref<8x768x2048xf32, #tpu.memory_space<hbm>> -> memref<1x192x2048xf32, #tpu.memory_space<hbm>>
      %dma_start3A_258 = tpu.memref_squeeze %dma_start3A_257 : memref<1x192x2048xf32, #tpu.memory_space<hbm>> -> memref<192x2048xf32, #tpu.memory_space<hbm>>
      tpu.enqueue_dma source(%dma_start3A_258 : memref<192x2048xf32, #tpu.memory_space<hbm>>) target(%dma_start3A_254 : memref<192x2048xf32, #tpu.memory_space<vmem>>) target_semaphore(%dma_start3A_250 : memref<!tpu.dma_semaphore, #tpu.memory_space<semaphore_mem>>)
      %dma_start3A_259 = arith.constant 0 : i32
      %dma_start3A_260 = tpu.memref_slice %arg12[%select_n3A_215, %dma_start3A_259] : memref<4x4x!tpu.dma_semaphore, #tpu.memory_space<semaphore_mem>> -> memref<1x1x!tpu.dma_semaphore, #tpu.memory_space<semaphore_mem>>
      %dma_start3A_261 = tpu.memref_squeeze %dma_start3A_260 : memref<1x1x!tpu.dma_semaphore, #tpu.memory_space<semaphore_mem>> -> memref<!tpu.dma_semaphore, #tpu.memory_space<semaphore_mem>>
      %dma_start3A_262 = arith.constant 0 : i32
      %dma_start3A_263 = arith.constant 0 : i32
      %dma_start3A_264 = tpu.memref_slice %arg8[%select_n3A_215, %dma_start3A_262, %dma_start3A_263] : memref<4x2048x768xf32, #tpu.memory_space<vmem>> -> memref<1x512x768xf32, #tpu.memory_space<vmem>>
      %dma_start3A_265 = tpu.memref_squeeze %dma_start3A_264 : memref<1x512x768xf32, #tpu.memory_space<vmem>> -> memref<512x768xf32, #tpu.memory_space<vmem>>
      %dma_start3A_266 = arith.constant 0 : i32
      %dma_start3A_267 = arith.constant 0 : i32
      %dma_start3A_268 = tpu.memref_slice %arg5[%get3A_123, %dma_start3A_266, %dma_start3A_267] : memref<8x2048x768xf32, #tpu.memory_space<hbm>> -> memref<1x512x768xf32, #tpu.memory_space<hbm>>
      %dma_start3A_269 = tpu.memref_squeeze %dma_start3A_268 : memref<1x512x768xf32, #tpu.memory_space<hbm>> -> memref<512x768xf32, #tpu.memory_space<hbm>>
      tpu.enqueue_dma source(%dma_start3A_269 : memref<512x768xf32, #tpu.memory_space<hbm>>) target(%dma_start3A_265 : memref<512x768xf32, #tpu.memory_space<vmem>>) target_semaphore(%dma_start3A_261 : memref<!tpu.dma_semaphore, #tpu.memory_space<semaphore_mem>>)
      %dma_start3A_270 = arith.constant 1 : i32
      %dma_start3A_271 = tpu.memref_slice %arg12[%select_n3A_215, %dma_start3A_270] : memref<4x4x!tpu.dma_semaphore, #tpu.memory_space<semaphore_mem>> -> memref<1x1x!tpu.dma_semaphore, #tpu.memory_space<semaphore_mem>>
      %dma_start3A_272 = tpu.memref_squeeze %dma_start3A_271 : memref<1x1x!tpu.dma_semaphore, #tpu.memory_space<semaphore_mem>> -> memref<!tpu.dma_semaphore, #tpu.memory_space<semaphore_mem>>
      %dma_start3A_273 = arith.constant 512 : i32
      %dma_start3A_274 = arith.constant 0 : i32
      %dma_start3A_275 = tpu.memref_slice %arg8[%select_n3A_215, %dma_start3A_273, %dma_start3A_274] : memref<4x2048x768xf32, #tpu.memory_space<vmem>> -> memref<1x512x768xf32, #tpu.memory_space<vmem>>
      %dma_start3A_276 = tpu.memref_squeeze %dma_start3A_275 : memref<1x512x768xf32, #tpu.memory_space<vmem>> -> memref<512x768xf32, #tpu.memory_space<vmem>>
      %dma_start3A_277 = arith.constant 512 : i32
      %dma_start3A_278 = arith.constant 0 : i32
      %dma_start3A_279 = tpu.memref_slice %arg5[%get3A_123, %dma_start3A_277, %dma_start3A_278] : memref<8x2048x768xf32, #tpu.memory_space<hbm>> -> memref<1x512x768xf32, #tpu.memory_space<hbm>>
      %dma_start3A_280 = tpu.memref_squeeze %dma_start3A_279 : memref<1x512x768xf32, #tpu.memory_space<hbm>> -> memref<512x768xf32, #tpu.memory_space<hbm>>
      tpu.enqueue_dma source(%dma_start3A_280 : memref<512x768xf32, #tpu.memory_space<hbm>>) target(%dma_start3A_276 : memref<512x768xf32, #tpu.memory_space<vmem>>) target_semaphore(%dma_start3A_272 : memref<!tpu.dma_semaphore, #tpu.memory_space<semaphore_mem>>)
      %dma_start3A_281 = arith.constant 2 : i32
      %dma_start3A_282 = tpu.memref_slice %arg12[%select_n3A_215, %dma_start3A_281] : memref<4x4x!tpu.dma_semaphore, #tpu.memory_space<semaphore_mem>> -> memref<1x1x!tpu.dma_semaphore, #tpu.memory_space<semaphore_mem>>
      %dma_start3A_283 = tpu.memref_squeeze %dma_start3A_282 : memref<1x1x!tpu.dma_semaphore, #tpu.memory_space<semaphore_mem>> -> memref<!tpu.dma_semaphore, #tpu.memory_space<semaphore_mem>>
      %dma_start3A_284 = arith.constant 1024 : i32
      %dma_start3A_285 = arith.constant 0 : i32
      %dma_start3A_286 = tpu.memref_slice %arg8[%select_n3A_215, %dma_start3A_284, %dma_start3A_285] : memref<4x2048x768xf32, #tpu.memory_space<vmem>> -> memref<1x512x768xf32, #tpu.memory_space<vmem>>
      %dma_start3A_287 = tpu.memref_squeeze %dma_start3A_286 : memref<1x512x768xf32, #tpu.memory_space<vmem>> -> memref<512x768xf32, #tpu.memory_space<vmem>>
      %dma_start3A_288 = arith.constant 1024 : i32
      %dma_start3A_289 = arith.constant 0 : i32
      %dma_start3A_290 = tpu.memref_slice %arg5[%get3A_123, %dma_start3A_288, %dma_start3A_289] : memref<8x2048x768xf32, #tpu.memory_space<hbm>> -> memref<1x512x768xf32, #tpu.memory_space<hbm>>
      %dma_start3A_291 = tpu.memref_squeeze %dma_start3A_290 : memref<1x512x768xf32, #tpu.memory_space<hbm>> -> memref<512x768xf32, #tpu.memory_space<hbm>>
      tpu.enqueue_dma source(%dma_start3A_291 : memref<512x768xf32, #tpu.memory_space<hbm>>) target(%dma_start3A_287 : memref<512x768xf32, #tpu.memory_space<vmem>>) target_semaphore(%dma_start3A_283 : memref<!tpu.dma_semaphore, #tpu.memory_space<semaphore_mem>>)
      %dma_start3A_292 = arith.constant 3 : i32
      %dma_start3A_293 = tpu.memref_slice %arg12[%select_n3A_215, %dma_start3A_292] : memref<4x4x!tpu.dma_semaphore, #tpu.memory_space<semaphore_mem>> -> memref<1x1x!tpu.dma_semaphore, #tpu.memory_space<semaphore_mem>>
      %dma_start3A_294 = tpu.memref_squeeze %dma_start3A_293 : memref<1x1x!tpu.dma_semaphore, #tpu.memory_space<semaphore_mem>> -> memref<!tpu.dma_semaphore, #tpu.memory_space<semaphore_mem>>
      %dma_start3A_295 = arith.constant 1536 : i32
      %dma_start3A_296 = arith.constant 0 : i32
      %dma_start3A_297 = tpu.memref_slice %arg8[%select_n3A_215, %dma_start3A_295, %dma_start3A_296] : memref<4x2048x768xf32, #tpu.memory_space<vmem>> -> memref<1x512x768xf32, #tpu.memory_space<vmem>>
      %dma_start3A_298 = tpu.memref_squeeze %dma_start3A_297 : memref<1x512x768xf32, #tpu.memory_space<vmem>> -> memref<512x768xf32, #tpu.memory_space<vmem>>
      %dma_start3A_299 = arith.constant 1536 : i32
      %dma_start3A_300 = arith.constant 0 : i32
      %dma_start3A_301 = tpu.memref_slice %arg5[%get3A_123, %dma_start3A_299, %dma_start3A_300] : memref<8x2048x768xf32, #tpu.memory_space<hbm>> -> memref<1x512x768xf32, #tpu.memory_space<hbm>>
      %dma_start3A_302 = tpu.memref_squeeze %dma_start3A_301 : memref<1x512x768xf32, #tpu.memory_space<hbm>> -> memref<512x768xf32, #tpu.memory_space<hbm>>
      tpu.enqueue_dma source(%dma_start3A_302 : memref<512x768xf32, #tpu.memory_space<hbm>>) target(%dma_start3A_298 : memref<512x768xf32, #tpu.memory_space<vmem>>) target_semaphore(%dma_start3A_294 : memref<!tpu.dma_semaphore, #tpu.memory_space<semaphore_mem>>)
      %swap3A_303 = arith.constant 1 : i32
      %swap3A_304 = arith.index_cast %get3A_123 : i32 to index
      %swap3A_305 = memref.load %arg10[%swap3A_304] : memref<8xi32, #tpu.memory_space<smem>>
      memref.store %swap3A_303, %arg10[%swap3A_304] : memref<8xi32, #tpu.memory_space<smem>>
    } else {
    }
    %jit3A = arith.constant 4 : i32
    %eq3A_135 = arith.constant 0 : i32
    %eq3A_136 = arith.cmpi eq, %jit3A, %eq3A_135 : i32
    %jit3A_137 = arith.constant 1 : i32
    %select_n3A = arith.select %eq3A_136, %jit3A_137, %jit3A : i32
    %rem3A = arith.remsi %get3A_0, %select_n3A : i32
    %ne3A = arith.constant 0 : i32
    %ne3A_138 = arith.cmpi ne, %rem3A, %ne3A : i32
    %lt3A_139 = arith.constant 0 : i32
    %lt3A_140 = arith.cmpi slt, %rem3A, %lt3A_139 : i32
    %lt3A_141 = arith.constant 0 : i32
    %lt3A_142 = arith.cmpi slt, %select_n3A, %lt3A_141 : i32
    %ne3A_143 = arith.xori %lt3A_140, %lt3A_142 : i1
    %and3A_144 = arith.andi %ne3A_143, %ne3A_138 : i1
    %add3A_145 = arith.addi %rem3A, %select_n3A : i32
    %select_n3A_146 = arith.select %and3A_144, %add3A_145, %rem3A : i32
    %get3A_147 = arith.index_cast %get3A_0 : i32 to index
    %get3A_148 = memref.load %arg10[%get3A_147] : memref<8xi32, #tpu.memory_space<smem>>
    %eq3A_149 = arith.constant 1 : i32
    %eq3A_150 = arith.cmpi eq, %get3A_148, %eq3A_149 : i32
    %convert_element_type3A_151 = arith.extui %eq3A_150 : i1 to i32
    %cond3A_152 = arith.constant 0 : i32
    %cond3A_153 = arith.cmpi ne, %convert_element_type3A_151, %cond3A_152 : i32
    scf.if %cond3A_153 {
      %jit3A_200 = arith.constant 4 : i32
      %eq3A_201 = arith.constant 0 : i32
      %eq3A_202 = arith.cmpi eq, %jit3A_200, %eq3A_201 : i32
      %jit3A_203 = arith.constant 1 : i32
      %select_n3A_204 = arith.select %eq3A_202, %jit3A_203, %jit3A_200 : i32
      %rem3A_205 = arith.remsi %get3A_0, %select_n3A_204 : i32
      %ne3A_206 = arith.constant 0 : i32
      %ne3A_207 = arith.cmpi ne, %rem3A_205, %ne3A_206 : i32
      %lt3A_208 = arith.constant 0 : i32
      %lt3A_209 = arith.cmpi slt, %rem3A_205, %lt3A_208 : i32
      %lt3A_210 = arith.constant 0 : i32
      %lt3A_211 = arith.cmpi slt, %select_n3A_204, %lt3A_210 : i32
      %ne3A_212 = arith.xori %lt3A_209, %lt3A_211 : i1
      %and3A_213 = arith.andi %ne3A_212, %ne3A_207 : i1
      %add3A_214 = arith.addi %rem3A_205, %select_n3A_204 : i32
      %select_n3A_215 = arith.select %and3A_213, %add3A_214, %rem3A_205 : i32
      %dma_wait3A = arith.constant 0 : i32
      %dma_wait3A_216 = tpu.memref_slice %arg11[%select_n3A_215, %dma_wait3A] : memref<4x4x!tpu.dma_semaphore, #tpu.memory_space<semaphore_mem>> -> memref<1x1x!tpu.dma_semaphore, #tpu.memory_space<semaphore_mem>>
      %dma_wait3A_217 = tpu.memref_squeeze %dma_wait3A_216 : memref<1x1x!tpu.dma_semaphore, #tpu.memory_space<semaphore_mem>> -> memref<!tpu.dma_semaphore, #tpu.memory_space<semaphore_mem>>
      %dma_wait3A_218 = arith.constant 0 : i32
      %dma_wait3A_219 = arith.constant 0 : i32
      %dma_wait3A_220 = tpu.memref_slice %arg7[%select_n3A_215, %dma_wait3A_218, %dma_wait3A_219] : memref<4x768x2048xf32, #tpu.memory_space<vmem>> -> memref<1x192x2048xf32, #tpu.memory_space<vmem>>
      %dma_wait3A_221 = tpu.memref_squeeze %dma_wait3A_220 : memref<1x192x2048xf32, #tpu.memory_space<vmem>> -> memref<192x2048xf32, #tpu.memory_space<vmem>>
      %dma_wait3A_222 = arith.constant 0 : i32
      %dma_wait3A_223 = arith.constant 0 : i32
      %dma_wait3A_224 = tpu.memref_slice %arg4[%get3A_0, %dma_wait3A_222, %dma_wait3A_223] : memref<8x768x2048xf32, #tpu.memory_space<hbm>> -> memref<1x192x2048xf32, #tpu.memory_space<hbm>>
      %dma_wait3A_225 = tpu.memref_squeeze %dma_wait3A_224 : memref<1x192x2048xf32, #tpu.memory_space<hbm>> -> memref<192x2048xf32, #tpu.memory_space<hbm>>
      tpu.wait_dma2 semaphore(%dma_wait3A_217 : memref<!tpu.dma_semaphore, #tpu.memory_space<semaphore_mem>>) src(%dma_wait3A_225 : memref<192x2048xf32, #tpu.memory_space<hbm>>) dst(%dma_wait3A_221 : memref<192x2048xf32, #tpu.memory_space<vmem>>)
      %dma_wait3A_226 = arith.constant 1 : i32
      %dma_wait3A_227 = tpu.memref_slice %arg11[%select_n3A_215, %dma_wait3A_226] : memref<4x4x!tpu.dma_semaphore, #tpu.memory_space<semaphore_mem>> -> memref<1x1x!tpu.dma_semaphore, #tpu.memory_space<semaphore_mem>>
      %dma_wait3A_228 = tpu.memref_squeeze %dma_wait3A_227 : memref<1x1x!tpu.dma_semaphore, #tpu.memory_space<semaphore_mem>> -> memref<!tpu.dma_semaphore, #tpu.memory_space<semaphore_mem>>
      %dma_wait3A_229 = arith.constant 192 : i32
      %dma_wait3A_230 = arith.constant 0 : i32
      %dma_wait3A_231 = tpu.memref_slice %arg7[%select_n3A_215, %dma_wait3A_229, %dma_wait3A_230] : memref<4x768x2048xf32, #tpu.memory_space<vmem>> -> memref<1x192x2048xf32, #tpu.memory_space<vmem>>
      %dma_wait3A_232 = tpu.memref_squeeze %dma_wait3A_231 : memref<1x192x2048xf32, #tpu.memory_space<vmem>> -> memref<192x2048xf32, #tpu.memory_space<vmem>>
      %dma_wait3A_233 = arith.constant 192 : i32
      %dma_wait3A_234 = arith.constant 0 : i32
      %dma_wait3A_235 = tpu.memref_slice %arg4[%get3A_0, %dma_wait3A_233, %dma_wait3A_234] : memref<8x768x2048xf32, #tpu.memory_space<hbm>> -> memref<1x192x2048xf32, #tpu.memory_space<hbm>>
      %dma_wait3A_236 = tpu.memref_squeeze %dma_wait3A_235 : memref<1x192x2048xf32, #tpu.memory_space<hbm>> -> memref<192x2048xf32, #tpu.memory_space<hbm>>
      tpu.wait_dma2 semaphore(%dma_wait3A_228 : memref<!tpu.dma_semaphore, #tpu.memory_space<semaphore_mem>>) src(%dma_wait3A_236 : memref<192x2048xf32, #tpu.memory_space<hbm>>) dst(%dma_wait3A_232 : memref<192x2048xf32, #tpu.memory_space<vmem>>)
      %dma_wait3A_237 = arith.constant 2 : i32
      %dma_wait3A_238 = tpu.memref_slice %arg11[%select_n3A_215, %dma_wait3A_237] : memref<4x4x!tpu.dma_semaphore, #tpu.memory_space<semaphore_mem>> -> memref<1x1x!tpu.dma_semaphore, #tpu.memory_space<semaphore_mem>>
      %dma_wait3A_239 = tpu.memref_squeeze %dma_wait3A_238 : memref<1x1x!tpu.dma_semaphore, #tpu.memory_space<semaphore_mem>> -> memref<!tpu.dma_semaphore, #tpu.memory_space<semaphore_mem>>
      %dma_wait3A_240 = arith.constant 384 : i32
      %dma_wait3A_241 = arith.constant 0 : i32
      %dma_wait3A_242 = tpu.memref_slice %arg7[%select_n3A_215, %dma_wait3A_240, %dma_wait3A_241] : memref<4x768x2048xf32, #tpu.memory_space<vmem>> -> memref<1x192x2048xf32, #tpu.memory_space<vmem>>
      %dma_wait3A_243 = tpu.memref_squeeze %dma_wait3A_242 : memref<1x192x2048xf32, #tpu.memory_space<vmem>> -> memref<192x2048xf32, #tpu.memory_space<vmem>>
      %dma_wait3A_244 = arith.constant 384 : i32
      %dma_wait3A_245 = arith.constant 0 : i32
      %dma_wait3A_246 = tpu.memref_slice %arg4[%get3A_0, %dma_wait3A_244, %dma_wait3A_245] : memref<8x768x2048xf32, #tpu.memory_space<hbm>> -> memref<1x192x2048xf32, #tpu.memory_space<hbm>>
      %dma_wait3A_247 = tpu.memref_squeeze %dma_wait3A_246 : memref<1x192x2048xf32, #tpu.memory_space<hbm>> -> memref<192x2048xf32, #tpu.memory_space<hbm>>
      tpu.wait_dma2 semaphore(%dma_wait3A_239 : memref<!tpu.dma_semaphore, #tpu.memory_space<semaphore_mem>>) src(%dma_wait3A_247 : memref<192x2048xf32, #tpu.memory_space<hbm>>) dst(%dma_wait3A_243 : memref<192x2048xf32, #tpu.memory_space<vmem>>)
      %dma_wait3A_248 = arith.constant 3 : i32
      %dma_wait3A_249 = tpu.memref_slice %arg11[%select_n3A_215, %dma_wait3A_248] : memref<4x4x!tpu.dma_semaphore, #tpu.memory_space<semaphore_mem>> -> memref<1x1x!tpu.dma_semaphore, #tpu.memory_space<semaphore_mem>>
      %dma_wait3A_250 = tpu.memref_squeeze %dma_wait3A_249 : memref<1x1x!tpu.dma_semaphore, #tpu.memory_space<semaphore_mem>> -> memref<!tpu.dma_semaphore, #tpu.memory_space<semaphore_mem>>
      %dma_wait3A_251 = arith.constant 576 : i32
      %dma_wait3A_252 = arith.constant 0 : i32
      %dma_wait3A_253 = tpu.memref_slice %arg7[%select_n3A_215, %dma_wait3A_251, %dma_wait3A_252] : memref<4x768x2048xf32, #tpu.memory_space<vmem>> -> memref<1x192x2048xf32, #tpu.memory_space<vmem>>
      %dma_wait3A_254 = tpu.memref_squeeze %dma_wait3A_253 : memref<1x192x2048xf32, #tpu.memory_space<vmem>> -> memref<192x2048xf32, #tpu.memory_space<vmem>>
      %dma_wait3A_255 = arith.constant 576 : i32
      %dma_wait3A_256 = arith.constant 0 : i32
      %dma_wait3A_257 = tpu.memref_slice %arg4[%get3A_0, %dma_wait3A_255, %dma_wait3A_256] : memref<8x768x2048xf32, #tpu.memory_space<hbm>> -> memref<1x192x2048xf32, #tpu.memory_space<hbm>>
      %dma_wait3A_258 = tpu.memref_squeeze %dma_wait3A_257 : memref<1x192x2048xf32, #tpu.memory_space<hbm>> -> memref<192x2048xf32, #tpu.memory_space<hbm>>
      tpu.wait_dma2 semaphore(%dma_wait3A_250 : memref<!tpu.dma_semaphore, #tpu.memory_space<semaphore_mem>>) src(%dma_wait3A_258 : memref<192x2048xf32, #tpu.memory_space<hbm>>) dst(%dma_wait3A_254 : memref<192x2048xf32, #tpu.memory_space<vmem>>)
      %dma_wait3A_259 = arith.constant 0 : i32
      %dma_wait3A_260 = tpu.memref_slice %arg12[%select_n3A_215, %dma_wait3A_259] : memref<4x4x!tpu.dma_semaphore, #tpu.memory_space<semaphore_mem>> -> memref<1x1x!tpu.dma_semaphore, #tpu.memory_space<semaphore_mem>>
      %dma_wait3A_261 = tpu.memref_squeeze %dma_wait3A_260 : memref<1x1x!tpu.dma_semaphore, #tpu.memory_space<semaphore_mem>> -> memref<!tpu.dma_semaphore, #tpu.memory_space<semaphore_mem>>
      %dma_wait3A_262 = arith.constant 0 : i32
      %dma_wait3A_263 = arith.constant 0 : i32
      %dma_wait3A_264 = tpu.memref_slice %arg8[%select_n3A_215, %dma_wait3A_262, %dma_wait3A_263] : memref<4x2048x768xf32, #tpu.memory_space<vmem>> -> memref<1x512x768xf32, #tpu.memory_space<vmem>>
      %dma_wait3A_265 = tpu.memref_squeeze %dma_wait3A_264 : memref<1x512x768xf32, #tpu.memory_space<vmem>> -> memref<512x768xf32, #tpu.memory_space<vmem>>
      %dma_wait3A_266 = arith.constant 0 : i32
      %dma_wait3A_267 = arith.constant 0 : i32
      %dma_wait3A_268 = tpu.memref_slice %arg5[%get3A_0, %dma_wait3A_266, %dma_wait3A_267] : memref<8x2048x768xf32, #tpu.memory_space<hbm>> -> memref<1x512x768xf32, #tpu.memory_space<hbm>>
      %dma_wait3A_269 = tpu.memref_squeeze %dma_wait3A_268 : memref<1x512x768xf32, #tpu.memory_space<hbm>> -> memref<512x768xf32, #tpu.memory_space<hbm>>
      tpu.wait_dma2 semaphore(%dma_wait3A_261 : memref<!tpu.dma_semaphore, #tpu.memory_space<semaphore_mem>>) src(%dma_wait3A_269 : memref<512x768xf32, #tpu.memory_space<hbm>>) dst(%dma_wait3A_265 : memref<512x768xf32, #tpu.memory_space<vmem>>)
      %dma_wait3A_270 = arith.constant 1 : i32
      %dma_wait3A_271 = tpu.memref_slice %arg12[%select_n3A_215, %dma_wait3A_270] : memref<4x4x!tpu.dma_semaphore, #tpu.memory_space<semaphore_mem>> -> memref<1x1x!tpu.dma_semaphore, #tpu.memory_space<semaphore_mem>>
      %dma_wait3A_272 = tpu.memref_squeeze %dma_wait3A_271 : memref<1x1x!tpu.dma_semaphore, #tpu.memory_space<semaphore_mem>> -> memref<!tpu.dma_semaphore, #tpu.memory_space<semaphore_mem>>
      %dma_wait3A_273 = arith.constant 512 : i32
      %dma_wait3A_274 = arith.constant 0 : i32
      %dma_wait3A_275 = tpu.memref_slice %arg8[%select_n3A_215, %dma_wait3A_273, %dma_wait3A_274] : memref<4x2048x768xf32, #tpu.memory_space<vmem>> -> memref<1x512x768xf32, #tpu.memory_space<vmem>>
      %dma_wait3A_276 = tpu.memref_squeeze %dma_wait3A_275 : memref<1x512x768xf32, #tpu.memory_space<vmem>> -> memref<512x768xf32, #tpu.memory_space<vmem>>
      %dma_wait3A_277 = arith.constant 512 : i32
      %dma_wait3A_278 = arith.constant 0 : i32
      %dma_wait3A_279 = tpu.memref_slice %arg5[%get3A_0, %dma_wait3A_277, %dma_wait3A_278] : memref<8x2048x768xf32, #tpu.memory_space<hbm>> -> memref<1x512x768xf32, #tpu.memory_space<hbm>>
      %dma_wait3A_280 = tpu.memref_squeeze %dma_wait3A_279 : memref<1x512x768xf32, #tpu.memory_space<hbm>> -> memref<512x768xf32, #tpu.memory_space<hbm>>
      tpu.wait_dma2 semaphore(%dma_wait3A_272 : memref<!tpu.dma_semaphore, #tpu.memory_space<semaphore_mem>>) src(%dma_wait3A_280 : memref<512x768xf32, #tpu.memory_space<hbm>>) dst(%dma_wait3A_276 : memref<512x768xf32, #tpu.memory_space<vmem>>)
      %dma_wait3A_281 = arith.constant 2 : i32
      %dma_wait3A_282 = tpu.memref_slice %arg12[%select_n3A_215, %dma_wait3A_281] : memref<4x4x!tpu.dma_semaphore, #tpu.memory_space<semaphore_mem>> -> memref<1x1x!tpu.dma_semaphore, #tpu.memory_space<semaphore_mem>>
      %dma_wait3A_283 = tpu.memref_squeeze %dma_wait3A_282 : memref<1x1x!tpu.dma_semaphore, #tpu.memory_space<semaphore_mem>> -> memref<!tpu.dma_semaphore, #tpu.memory_space<semaphore_mem>>
      %dma_wait3A_284 = arith.constant 1024 : i32
      %dma_wait3A_285 = arith.constant 0 : i32
      %dma_wait3A_286 = tpu.memref_slice %arg8[%select_n3A_215, %dma_wait3A_284, %dma_wait3A_285] : memref<4x2048x768xf32, #tpu.memory_space<vmem>> -> memref<1x512x768xf32, #tpu.memory_space<vmem>>
      %dma_wait3A_287 = tpu.memref_squeeze %dma_wait3A_286 : memref<1x512x768xf32, #tpu.memory_space<vmem>> -> memref<512x768xf32, #tpu.memory_space<vmem>>
      %dma_wait3A_288 = arith.constant 1024 : i32
      %dma_wait3A_289 = arith.constant 0 : i32
      %dma_wait3A_290 = tpu.memref_slice %arg5[%get3A_0, %dma_wait3A_288, %dma_wait3A_289] : memref<8x2048x768xf32, #tpu.memory_space<hbm>> -> memref<1x512x768xf32, #tpu.memory_space<hbm>>
      %dma_wait3A_291 = tpu.memref_squeeze %dma_wait3A_290 : memref<1x512x768xf32, #tpu.memory_space<hbm>> -> memref<512x768xf32, #tpu.memory_space<hbm>>
      tpu.wait_dma2 semaphore(%dma_wait3A_283 : memref<!tpu.dma_semaphore, #tpu.memory_space<semaphore_mem>>) src(%dma_wait3A_291 : memref<512x768xf32, #tpu.memory_space<hbm>>) dst(%dma_wait3A_287 : memref<512x768xf32, #tpu.memory_space<vmem>>)
      %dma_wait3A_292 = arith.constant 3 : i32
      %dma_wait3A_293 = tpu.memref_slice %arg12[%select_n3A_215, %dma_wait3A_292] : memref<4x4x!tpu.dma_semaphore, #tpu.memory_space<semaphore_mem>> -> memref<1x1x!tpu.dma_semaphore, #tpu.memory_space<semaphore_mem>>
      %dma_wait3A_294 = tpu.memref_squeeze %dma_wait3A_293 : memref<1x1x!tpu.dma_semaphore, #tpu.memory_space<semaphore_mem>> -> memref<!tpu.dma_semaphore, #tpu.memory_space<semaphore_mem>>
      %dma_wait3A_295 = arith.constant 1536 : i32
      %dma_wait3A_296 = arith.constant 0 : i32
      %dma_wait3A_297 = tpu.memref_slice %arg8[%select_n3A_215, %dma_wait3A_295, %dma_wait3A_296] : memref<4x2048x768xf32, #tpu.memory_space<vmem>> -> memref<1x512x768xf32, #tpu.memory_space<vmem>>
      %dma_wait3A_298 = tpu.memref_squeeze %dma_wait3A_297 : memref<1x512x768xf32, #tpu.memory_space<vmem>> -> memref<512x768xf32, #tpu.memory_space<vmem>>
      %dma_wait3A_299 = arith.constant 1536 : i32
      %dma_wait3A_300 = arith.constant 0 : i32
      %dma_wait3A_301 = tpu.memref_slice %arg5[%get3A_0, %dma_wait3A_299, %dma_wait3A_300] : memref<8x2048x768xf32, #tpu.memory_space<hbm>> -> memref<1x512x768xf32, #tpu.memory_space<hbm>>
      %dma_wait3A_302 = tpu.memref_squeeze %dma_wait3A_301 : memref<1x512x768xf32, #tpu.memory_space<hbm>> -> memref<512x768xf32, #tpu.memory_space<hbm>>
      tpu.wait_dma2 semaphore(%dma_wait3A_294 : memref<!tpu.dma_semaphore, #tpu.memory_space<semaphore_mem>>) src(%dma_wait3A_302 : memref<512x768xf32, #tpu.memory_space<hbm>>) dst(%dma_wait3A_298 : memref<512x768xf32, #tpu.memory_space<vmem>>)
      %swap3A_303 = arith.constant 2 : i32
      %swap3A_304 = arith.index_cast %get3A_0 : i32 to index
      %swap3A_305 = memref.load %arg10[%swap3A_304] : memref<8xi32, #tpu.memory_space<smem>>
      memref.store %swap3A_303, %arg10[%swap3A_304] : memref<8xi32, #tpu.memory_space<smem>>
    } else {
    }
    %iota3A = tpu.iota {dimensions = array<i32: 0>} : vector<128x2048xi32>
    %get3A_154 = arith.constant 0 : index
    %get3A_155 = arith.constant 0 : index
    %get3A_156 = vector.load %arg2[%get3A_154, %get3A_155] : memref<1x2048xi32, #tpu.memory_space<vmem>>, vector<1x2048xi32>
    %mul3A = arith.constant 128 : i32
    %mul3A_157 = arith.muli %arg0, %mul3A : i32
    %add3A_158 = vector.broadcast %mul3A_157 : i32 to vector<128x2048xi32>
    %add3A_159 = arith.addi %add3A_158, %iota3A : vector<128x2048xi32>
    %eq3A_160 = vector.broadcast %get3A_156 : vector<1x2048xi32> to vector<128x2048xi32>
    %eq3A_161 = arith.cmpi eq, %eq3A_160, %add3A_159 : vector<128x2048xi32>
    %convert_element_type3A_162 = arith.extui %eq3A_161 : vector<128x2048xi1> to vector<128x2048xi32>
    %convert_element_type3A_163 = arith.sitofp %convert_element_type3A_162 : vector<128x2048xi32> to vector<128x2048xf32>
    %convert_element_type3A_164 = arith.truncf %convert_element_type3A_163 : vector<128x2048xf32> to vector<128x2048xbf16>
    %get3A_165 = arith.constant 0 : index
    %get3A_166 = arith.constant 0 : index
    %get3A_167 = vector.load %arg9[%get3A_165, %get3A_166] : memref<2048x768xbf16, #tpu.memory_space<vmem>>, vector<2048x768xbf16>
    %dot_general3A = arith.constant dense<0.000000e+00> : vector<128x768xf32>
    %dot_general3A_168 = tpu.matmul %convert_element_type3A_164, %get3A_167, %dot_general3A {dimension_numbers = #tpu.dot_dimension_numbers<[1], [0], [0], [1], [0, 0, 1, 1], [], []>, transpose_lhs_hint = false} : vector<128x2048xbf16>, vector<2048x768xbf16>, vector<128x768xf32> -> vector<128x768xf32>
    %get3A_169 = arith.index_cast %select_n3A_146 : i32 to index
    %get3A_170 = arith.constant 0 : index
    %get3A_171 = arith.constant 0 : index
    %get3A_172 = vector.load %arg7[%get3A_169, %get3A_170, %get3A_171] : memref<4x768x2048xf32, #tpu.memory_space<vmem>>, vector<1x768x2048xf32>
    %get3A_173 = vector.shape_cast %get3A_172 : vector<1x768x2048xf32> to vector<768x2048xf32>
    %dot_general3A_174 = arith.constant dense<0.000000e+00> : vector<128x2048xf32>
    %dot_general3A_175 = tpu.matmul %dot_general3A_168, %get3A_173, %dot_general3A_174 {dimension_numbers = #tpu.dot_dimension_numbers<[1], [0], [0], [1], [0, 0, 1, 1], [], []>, transpose_lhs_hint = false} : vector<128x768xf32>, vector<768x2048xf32>, vector<128x2048xf32> -> vector<128x2048xf32>
    %integer_pow3A = arith.mulf %dot_general3A_175, %dot_general3A_175 : vector<128x2048xf32>
    %integer_pow3A_176 = arith.mulf %dot_general3A_175, %integer_pow3A : vector<128x2048xf32>
    %mul3A_177 = arith.constant 4.471500e-02 : f32
    %mul3A_178 = vector.broadcast %mul3A_177 : f32 to vector<128x2048xf32>
    %mul3A_179 = arith.mulf %mul3A_178, %integer_pow3A_176 : vector<128x2048xf32>
    %add3A_180 = arith.addf %dot_general3A_175, %mul3A_179 : vector<128x2048xf32>
    %mul3A_181 = arith.constant 0.797884583 : f32
    %mul3A_182 = vector.broadcast %mul3A_181 : f32 to vector<128x2048xf32>
    %mul3A_183 = arith.mulf %mul3A_182, %add3A_180 : vector<128x2048xf32>
    %tanh3A = math.tanh %mul3A_183 : vector<128x2048xf32>
    %add3A_184 = arith.constant 1.000000e+00 : f32
    %add3A_185 = vector.broadcast %add3A_184 : f32 to vector<128x2048xf32>
    %add3A_186 = arith.addf %add3A_185, %tanh3A : vector<128x2048xf32>
    %mul3A_187 = arith.constant 5.000000e-01 : f32
    %mul3A_188 = vector.broadcast %mul3A_187 : f32 to vector<128x2048xf32>
    %mul3A_189 = arith.mulf %mul3A_188, %add3A_186 : vector<128x2048xf32>
    %mul3A_190 = arith.mulf %dot_general3A_175, %mul3A_189 : vector<128x2048xf32>
    %get3A_191 = arith.index_cast %select_n3A_146 : i32 to index
    %get3A_192 = arith.constant 0 : index
    %get3A_193 = arith.constant 0 : index
    %get3A_194 = vector.load %arg8[%get3A_191, %get3A_192, %get3A_193] : memref<4x2048x768xf32, #tpu.memory_space<vmem>>, vector<1x2048x768xf32>
    %get3A_195 = vector.shape_cast %get3A_194 : vector<1x2048x768xf32> to vector<2048x768xf32>
    %dot_general3A_196 = arith.constant dense<0.000000e+00> : vector<128x768xf32>
    %dot_general3A_197 = tpu.matmul %mul3A_190, %get3A_195, %dot_general3A_196 {dimension_numbers = #tpu.dot_dimension_numbers<[1], [0], [0], [1], [0, 0, 1, 1], [], []>, transpose_lhs_hint = false} : vector<128x2048xf32>, vector<2048x768xf32>, vector<128x768xf32> -> vector<128x768xf32>
    %swap3A = arith.constant 0 : index
    %swap3A_198 = arith.constant 0 : index
    %swap3A_199 = vector.load %arg6[%swap3A, %swap3A_198] : memref<128x768xf32, #tpu.memory_space<vmem>>, vector<128x768xf32>
    tpu.vector_store %arg6[%swap3A, %swap3A_198], %dot_general3A_197 {strides = array<i32>} : memref<128x768xf32, #tpu.memory_space<vmem>>, vector<128x768xf32>,
    return
  }
  func.func @transform_0(%arg0: i32, %arg1: memref<23xi32, #tpu.memory_space<smem>>) -> (i32, i32) {
    %c0_i32 = arith.constant 0 : i32
    %c0_i32_0 = arith.constant 0 : i32
    %c0_i32_1 = arith.constant 0 : i32
    return %c0_i32, %c0_i32_0 : i32, i32
  }
  func.func @transform_1(%arg0: i32, %arg1: memref<23xi32, #tpu.memory_space<smem>>) -> (i32, i32) {
    %c0_i32 = arith.constant 0 : i32
    %c0_i32_0 = arith.constant 0 : i32
    %c0_i32_1 = arith.constant 0 : i32
    return %c0_i32, %c0_i32_0 : i32, i32
  }
  func.func @transform_4(%arg0: i32, %arg1: memref<23xi32, #tpu.memory_space<smem>>) -> (i32, i32) {
    %c0_i32 = arith.constant 0 : i32
    %c0_i32_0 = arith.constant 0 : i32
    return %arg0, %c0_i32 : i32, i32
  }
}

</mosaic_0001>

<sc_bundles>
// kernel: kernel.5.cloned.1.call-start
scs
__scs_entry_jumppad:
0x0: {  	(pc) =	sbr.rel $0x88, $3  }
0x1: {  	(tag) =	ssettag $0x0;
	lr =	simm.s32 $0x1  }
0x2: {  	[smem:$0x3F9D] =	sst lr;
	_ =	strace $0xD0000000  }
0x3: {  	_ = 	snop  }
0x4: {  	_ = 	snop  }
0x5: {  	_ = 	snop  }
0x6: {  	_ = 	snop  }
0x7: {  	_ = 	snop  }
__scs_overlays_trampoline_lowered:
0x8: {  	[smem:$0x3FAC] =	sst s0  }
0x9: {  	[smem:$0x3FAD] =	sst s1  }
0xa: {  	[smem:$0x3FAE] =	sst s2  }
0xb: {  	[smem:$0x3FAF] =	sst s3  }
0xc: {  	[smem:$0x3FB0] =	sst s4  }
0xd: {  	[smem:$0x3FB1] =	sst s5  }
0xe: {  	[smem:$0x3FB2] =	sst s6  }
0xf: {  	[smem:$0x3FB3] =	sst s7  }
0x10: {  	[smem:$0x3FB4] =	sst s8  }
0x11: {  	[smem:$0x3FB5] =	sst s9;
	s0 =	simm.s32 @!p0 $0x0  }
0x12: {  	s1 =	sld [smem:$0x3F9B];
	s0 =	simm.s32 @p0 $0x1  }
0x13: {  	[smem:$0x3FB6] =	sst s0;
	s0 =	simm.s32 @!p1 $0x0  }
0x14: {  	s2 =	sld [smem:$0x3F9A];
	s0 =	simm.s32 @p1 $0x1  }
0x15: {  	[smem:$0x3FB7] =	sst s0;
	s0 =	simm.s32 @!p2 $0x0  }
0x16: {  	s3 =	sld [smem:$0x3FDB];
	s0 =	simm.s32 @p2 $0x1  }
0x17: {  	s4 =	simm.s32 $0x1BF5;
	[smem:$0x3FB9] =	sst s0  }
0x18: {  	s0 =	sld [smem:$0x3F9C];
	_ =	swait.ge [sflag:s4], $0x0  }
0x19: {  	s7 =	sld [smem:$0x3F9D]  }
0x1a: {  	s8 =	sadd.s32 $0xFFFFE003, lr  }
0x1b: {  	s9 =	sadd.s32 $0xFFFFFEF7, lr;
	s5 =	simm.s32 $0xFFFFFFFF;
	p2 =	slt.u32 s8, $0xFFFFF086  }
0x1c: {  	p1 =	slt.u32 s9, $0xF7A;
	s5 =	simm.s32 @!p2 $0x0  }
0x1d: {  	s5 =	simm.s32 @p1 $0x1;
	p0 =	seq.s32 s7, s2  }
0x1e: {  	s7 =	smul.u32 @!p0 $0xF7A, s2;
	p2 =	seq.s32 @!p0 s5, $0x0  }
0x1f: {  	s9 =	smul.u32 $0xF7A, s1;
	s8 =	simm.s32 @!p0 $0x1BF5;
	p2 =	por !p2, p0  }
0x20: {  	[sflag:s8] =	ssyncset.s32 @!p0 $0xFFFFF086;
	s6 =	sadd.s32 @!p0 s3, s7;
	s7 =	simm.s32 @!p0 $0x108  }
0x21: {  	s3 =	sadd.s32 s3, s9;
	s6 =	sadd.s32 @!p0 $0x88, s6;
	s7 =	simm.s32 @p2 $0x1082  }
0x22: {  	[simem:s7], [sflag:s8] =	dma.local @!p0 [hbm:s6], $0xF7A  }
0x23: {  	s9 =	sor.u32 $0xD0000000, s2;
	s6 =	simm.s32 $0x108;
	_ =	swait.ge @!p0 [sflag:s8], $0x0  }
0x24: {  	s3 =	sadd.s32 $0x88, s3;
	s6 =	simm.s32 @!p1 $0x1082;
	[sflag:s4] =	ssyncset.s32 $0xFFFFF086  }
0x25: {  	[simem:s6], [sflag:s4] =	dma.local [hbm:s3], $0xF7A  }
0x26: {  	[smem:$0x3F9D] =	sst s1;
	(tag) =	ssettag s2;
	_ =	strace s9  }
0x27: {  	s1 =	sld [smem:$0x3FAD]  }
0x28: {  	s2 =	sld [smem:$0x3FAE]  }
0x29: {  	s4 =	sld [smem:$0x3FB0]  }
0x2a: {  	p0 =	seq.s32 s5, $0x0;
	s5 =	sld [smem:$0x3FB1]  }
0x2b: {  	s6 =	sld [smem:$0x3FB2]  }
0x2c: {  	s7 =	sld [smem:$0x3FB3]  }
0x2d: {  	s3 =	simm.s32 $0x108;
	s8 =	sld [smem:$0x3FB4]  }
0x2e: {  	s3 =	simm.s32 @!p0 $0x1082;
	s9 =	sld [smem:$0x3FB5]  }
0x2f: {  	lr =	sadd.s32 s0, s3;
	s0 =	sld [smem:$0x3FAC]  }
0x30: {  	s3 =	sld [smem:$0x3FAF]  }
0x31: {  	[smem:$0x3FB8] =	sst s10  }
0x32: {  	s10 =	sld [smem:$0x3FB6];
	_ =	sdelay $0x3  }
0x33: {  	p0 =	seq.s32 s10, $0x1;
	s10 =	sld [smem:$0x3FB8];
	_ =	sdelay $0x3  }
0x34: {  	[smem:$0x3FB8] =	sst s10  }
0x35: {  	s10 =	sld [smem:$0x3FB7];
	_ =	sdelay $0x3  }
0x36: {  	p1 =	seq.s32 s10, $0x1;
	s10 =	sld [smem:$0x3FB8];
	_ =	sdelay $0x3  }
0x37: {  	[smem:$0x3FB8] =	sst s10  }
0x38: {  	s10 =	sld [smem:$0x3FB9]  }
0x39: {  	_ = 	snop;
	(pc) =	sbr.ind lr, $3  }
0x3a: {  	_ = 	snop  }
0x3b: {  	_ = 	snop  }
0x3c: {  	p2 =	seq.s32 s10, $0x1;
	s10 =	sld [smem:$0x3FB8]  }
0x3d: {  	_ =	shalt  }
0x3e: {  	_ =	shalt  }
0x3f: {  	_ =	shalt  }
0x40: {  	_ =	shalt  }
0x41: {  	_ =	shalt  }
0x42: {  	_ =	shalt  }
0x43: {  	_ =	shalt  }
0x44: {  	_ =	shalt  }
0x45: {  	_ =	shalt  }
0x46: {  	_ =	shalt  }
0x47: {  	_ =	shalt  }
0x48: {  	_ =	shalt  }
0x49: {  	_ =	shalt  }
0x4a: {  	_ =	shalt  }
0x4b: {  	_ =	shalt  }
0x4c: {  	_ =	shalt  }
0x4d: {  	_ =	shalt  }
0x4e: {  	_ =	shalt  }
0x4f: {  	_ =	shalt  }
0x50: {  	_ =	shalt  }
0x51: {  	_ =	shalt  }
0x52: {  	_ =	shalt  }
0x53: {  	_ =	shalt  }
0x54: {  	_ =	shalt  }
0x55: {  	_ =	shalt  }
0x56: {  	_ =	shalt  }
0x57: {  	_ =	shalt  }
0x58: {  	_ =	shalt  }
0x59: {  	_ =	shalt  }
0x5a: {  	_ =	shalt  }
0x5b: {  	_ =	shalt  }
0x5c: {  	_ =	shalt  }
0x5d: {  	_ =	shalt  }
0x5e: {  	_ =	shalt  }
0x5f: {  	_ =	shalt  }
0x60: {  	_ =	shalt  }
0x61: {  	_ =	shalt  }
0x62: {  	_ =	shalt  }
0x63: {  	_ =	shalt  }
0x64: {  	_ =	shalt  }
0x65: {  	_ =	shalt  }
0x66: {  	_ =	shalt  }
0x67: {  	_ =	shalt  }
0x68: {  	_ =	shalt  }
0x69: {  	_ =	shalt  }
0x6a: {  	_ =	shalt  }
0x6b: {  	_ =	shalt  }
0x6c: {  	_ =	shalt  }
0x6d: {  	_ =	shalt  }
0x6e: {  	_ =	shalt  }
0x6f: {  	_ =	shalt  }
0x70: {  	_ =	shalt  }
0x71: {  	_ =	shalt  }
0x72: {  	_ =	shalt  }
0x73: {  	_ =	shalt  }
0x74: {  	_ =	shalt  }
0x75: {  	_ =	shalt  }
0x76: {  	_ =	shalt  }
0x77: {  	_ =	shalt  }
0x78: {  	_ =	shalt  }
0x79: {  	_ =	shalt  }
0x7a: {  	_ =	shalt  }
0x7b: {  	_ =	shalt  }
0x7c: {  	_ =	shalt  }
0x7d: {  	_ =	shalt  }
0x7e: {  	_ =	shalt  }
0x7f: {  	_ =	shalt  }
0x80: {  	_ =	shalt  }
0x81: {  	_ =	shalt  }
0x82: {  	_ =	shalt  }
0x83: {  	_ =	shalt  }
0x84: {  	_ =	shalt  }
0x85: {  	_ =	shalt  }
0x86: {  	_ =	shalt  }
0x87: {  	_ =	shalt  }
.Lfunc_end0:
.L_simem_size_0:
called_computation_lowered:
.L_overlay_start_0:
0x88: {  	s2 =	sld [smem:$0x3FD9]  }
0x89: {  	s3 =	sld [smem:$0x3FFE];
	_ =	sdelay $0x1  }
0x8a: {  	s1 =	srdreg.scid  }
0x8b: {  	s0 =	sand.u32 $0x1, s1  }
0x8c: {  	s17 =	sshll.u32 s0, $0xA;
	s2 =	sadd.s32 s3, s2  }
0x8d: {  	s2 =	sadd.s32 s2, s17  }
0x8e: {  	[smem:$0x3FC4] =	sst s2  }
0x8f: {  	_ = 	snop  }
0x90: {  	s2 =	sld [smem:$0x3FD0];
	(tm) =	ssettm $0x1  }
0x91: {  	s18 =	sld [smem:$0x3FFB];
	_ =	sdelay $0x3  }
0x92: {  	_ =	strace s18  }
0x93: {  	s3 =	sld [smem:$0x3FFC];
	_ =	sdelay $0x3  }
0x94: {  	_ =	strace s3  }
0x95: {  	s3 =	sld [smem:$0x3FFD];
	_ =	sdelay $0x3  }
0x96: {  	_ =	strace s3  }
0x97: {  	_ =	strace $0x8FFFFFFF  }
0x98: {  	s19 =	sld [smem:$0x3FDB];
	_ =	sdelay $0x1  }
0x99: {  	s4 =	simm.s32 $_scs_section_size  }
0x9a: {  	s5 =	simm.s32 $_size__tile_overlayer_lowered;
	s6 =	simm.s32 $_tile_overlayer_lowered  }
0x9b: {  	s22 =	simm.s32 $0x1BFF;
	s21 =	sshll.u32 s6, $0x1;
	s3 =	sadd.s32 s4, s19  }
0x9c: {  	s7 =	simm.s32 $0x0;
	s20 =	sshll.u32 s5, $0x1;
	s5 =	sadd.s32 s21, s3  }
0x9d: {  	[timem:s7], [sflag:s22] =	dma.local [hbm:s5], s20  }
0x9e: {  	_ =	swait.ge [sflag:s22], s20  }
0x9f: {  	s4 =	ssub.s32 $0x0, s20;
	[sflag:s22] =	ssyncset.done $0x0  }
0xa0: {  	[sflag:s22] =	ssyncadd.s32 s4;
	_ =	sdelay $0x1  }
0xa1: {  	s23 =	simm.s32 $0x1B8B  }
0xa2: {  	_ =	swait.ge [sflag:s23], $0x1  }
0xa3: {  	[sflag:s23] =	ssyncset.done $0x0  }
0xa4: {  	s25 =	simm.s32 $0x1B8E;
	s24 =	sld [smem:$0x3FFE];
	[sflag:s23] =	ssyncadd.s32 $0xFFFFFFFF  }
0xa5: {  	s26 =	simm.s32 $execute0_lowered;
	[smem:$0x3FD2] =	sst s25  }
0xa6: {  	s5 =	sshll.u32 s26, $0x1;
	_ =	strace $0x80000046;
	[dreg:$0x1] =	wrdreg $0xFFFFFFFF  }
0xa7: {  	s28 =	simm.s32 $_size_execute0_lowered;
	s3 =	sadd.s32 s3, s5;
	[dreg:$0x0] =	wrdreg $0x0  }
0xa8: {  	s5 =	sshll.u32 s28, $0x1;
	[dreg:$0x2] =	wrdreg s3  }
0xa9: {  	[dreg:$0x3] =	wrdreg s5  }
0xaa: {  	[dreg:$0x4] =	wrdreg $0xC0  }
0xab: {  	_ =	task [dreg:s7], $0x5FFFF  }
0xac: {  	[dreg:$0x1] =	wrdreg $0xFFFFFFFF  }
0xad: {  	[dreg:$0x0] =	wrdreg $0x60  }
0xae: {  	[dreg:$0x2] =	wrdreg s24  }
0xaf: {  	[dreg:$0x3] =	wrdreg s2  }
0xb0: {  	[dreg:$0x4] =	wrdreg $0x9  }
0xb1: {  	_ =	task.clear_ibuf [dreg:s7], $0x5FFFF;
	_ =	strace $0x90000046  }
0xb2: {  	s29 =	simm.s32 $0x9;
	_ =	strace $0x80000048  }
0xb3: {  	_ =	swait.ge [sflag:s29], $0x1  }
0xb4: {  	[sflag:s29] =	ssyncadd.s32 $0xFFFFFFFF  }
0xb5: {  	_ =	strace $0x90000048  }
0xb6: {  	_ =	sfence  }
0xb7: {  	s30 =	sld [smem:$0x0];
	_ =	sdelay $0x2  }
0xb8: {  	s31 =	sshll.u32 s1, $0xD;
	s1 =	sshrl.u32 s1, $0x2  }
0xb9: {  	s3 =	sand.u32 $0x4000, s31;
	s1 =	sadd.s32 s1, s30  }
0xba: {  	s0 =	sor.u32 s3, s0;
	s1 =	sshll.u32 s1, $0x11  }
0xbb: {  	s0 =	sor.u32 s1, s0  }
0xbc: {  	s0 =	sadd.s32 $0x8F2B, s0  }
0xbd: {  	[sflag:s0] =	ssyncadd.remote.s32 $0x1  }
0xbe: {  	_ =	sfence.sel $0xFFFF  }
0xbf: {  	[dreg:$0x0] =	wrdreg $0xFFFFFFFF;
	(pc) =	sbr.abs _section_cstart, $3  }
0xc0: {  	[dreg:$0x1] =	wrdreg $0xFFFFFFFF  }
0xc1: {  	_ =	task.clear_ibuf [dreg:s7], $0x2FFFF;
	_ =	strace $0x9FFFFFFF  }
0xc2: {  	(tm) =	ssettm $0x7FFFFFFF  }
0xc3: {  	_ =	shalt  }
tec
execute0_lowered:
.L_overlay_start_1:
0x0: {  	(tag) =	ssettag $0x1  }
0x1: {  	s0 =	rddreg [dreg:$0x0]  }
0x2: {  	s5 =	rddreg [dreg:$0x1];
	s3 =	srdreg.scid  }
0x3: {  	s2 =	simm.s32 $0x0;
	s1 =	stileid.u32;
	s26 =	simm.s32 $0x880  }
0x4: {  	s10 =	simm.s32 $0x1880;
	s11 =	simm.s32 $0x2080;
	s12 =	simm.s32 $0x2880  }
0x5: {  	s13 =	simm.s32 $0x3080;
	s14 =	simm.s32 $0x3880;
	s15 =	simm.s32 $0x4080  }
0x6: {  	s16 =	simm.s32 $0x4880;
	s17 =	simm.s32 $0x5080;
	s18 =	simm.s32 $0x5880  }
0x7: {  	s19 =	simm.s32 $0x6080;
	s20 =	simm.s32 $0x6880;
	s21 =	simm.s32 $0x7080  }
0x8: {  	s22 =	simm.s32 $0x7880;
	s28 =	simm.s32 $0xA080;
	s29 =	simm.s32 $0xA880  }
0x9: {  	s30 =	simm.s32 $0xB080;
	s31 =	simm.s32 $0xB880;
	s3 =	sand.u32 $0x1, s3  }
0xa: {  	[smem:$0x7FF] =	sst s2;
	s4 =	sshll.u32 s1, $0x4;
	s6 =	sshll.u32 s3, $0x3  }
0xb: {  	_ =	strace $0x80000047;
	s23 =	ssub.s32 $0x2, s3;
	s3 =	sadd.s32 $0x3A00, s0  }
0xc: {  	[dreg:$0x5] =	wrdreg s26;
	s26 =	simm.s32 $0x9880;
	s4 =	sor.u32 s6, s4  }
0xd: {  	s8 =	sshrl.u32 s23, $0x1;
	s7 =	sadd.s32 s4, s0;
	s9 =	smul.u32 $0x300, s4  }
0xe: {  	s6 =	ssub.s32 s23, s8;
	s4 =	sadd.s32 $0x3B00, s0;
	s8 =	simm.s32 $0x80  }
0xf: {  	s23 =	simm.s32 $0x8080;
	s24 =	sadd.s32 $0x200, s7;
	s6 =	smax.u32 s6, $0x1  }
0x10: {  	v2 =	vlaneseq.u32;
	s7 =	simm.s32 $0x2;
	[dreg:$0x3] =	wrdreg s24;
	s25 =	sadd.s32 s5, s9  }
0x11: {  	vm0 =	vmmov $0xffff;
	v1 =	vshrl.u32 v2, $0x3;
	s5 =	sadd.s32 $0x3C00, s0;
	s9 =	simm.s32 $0x1080;
	s24 =	simm.s32 $0x8880  }
0x12: {  	v0 =	vand.u32 $0x7, v2;
	v2 =	vor.u32 $0x8, v2;
	v1 =	vmul.u32 $0x8, v1;
	s0 =	simm.s32 $0x1;
	[dreg:$0x4] =	wrdreg s25;
	s25 =	simm.s32 $0x9080  }
.LBB2_1:
0x13: {  	s1 =	rddreg [dreg:$0x3]  }
0x14: {  	[tilespmem:s2], [sflag:$0x2] =	stream.linear.gather [hbm4b:s1+s2], $0x40, $0x38;
	[tilespmem:$0xC080] =	vst v63  }
0x15: {  	_ =	swait.ge [sflag:s7], $0x40  }
0x16: {  	[sflag:s7] =	ssyncset.done $0x0  }
0x17: {  	[sflag:s7] =	ssyncadd.s32 $0xFFFFFFC0  }
0x18: {  	v3 =	vld [tilespmem:$0x0];
	_ =	sdelay $0x4  }
0x19: {  	v4 =	vshrl.u32 v3, $0x3  }
0x1a: {  	v4 =	vmul.u32 $0x30, v4  }
0x1b: {  	v3 =	vand.u32 $0x7, v3  }
0x1c: {  	v3 =	vor.u32 v3, v4  }
0x1d: {  	v4 =	vperm.xlane v3, v0;
	_ =	sdelay $0x1  }
0x1e: {  	v4 =	vadd.s32 v1, v4;
	_ =	sdelay $0x3  }
0x1f: {  	v3 =	vperm.xlane v3, v2  }
0x20: {  	[tilespmem:s8], [sflag:$0x1] =	stream.indirect_vreg.gather [hbm4b:s3+s2], $0x80, v4, vm0, $0xb8;
	[tilespmem:$0xC080] =	vst v63  }
0x21: {  	s1 =	rddreg [dreg:$0x5];
	v3 =	vadd.s32 v1, v3  }
0x22: {  	[tilespmem:s1], [sflag:$0x1] =	stream.indirect_vreg.gather [hbm4b:s4+s2], $0x80, v4, vm0, $0xb8;
	[tilespmem:$0xC080] =	vst v63  }
0x23: {  	_ = 	snop  }
0x24: {  	[tilespmem:s9], [sflag:$0x1] =	stream.indirect_vreg.gather [hbm4b:s5+s2], $0x80, v4, vm0, $0xb8;
	[tilespmem:$0xC080] =	vst v63  }
0x25: {  	_ = 	snop  }
0x26: {  	[tilespmem:s10], [sflag:$0x1] =	stream.indirect_vreg.gather [hbm4b:s3+s2], $0x80, v3, vm0, $0xb8;
	[tilespmem:$0xC080] =	vst v63  }
0x27: {  	_ = 	snop  }
0x28: {  	[tilespmem:s11], [sflag:$0x1] =	stream.indirect_vreg.gather [hbm4b:s4+s2], $0x80, v3, vm0, $0xb8;
	[tilespmem:$0xC080] =	vst v63  }
0x29: {  	_ = 	snop  }
0x2a: {  	[tilespmem:s12], [sflag:$0x1] =	stream.indirect_vreg.gather [hbm4b:s5+s2], $0x80, v3, vm0, $0xb8;
	[tilespmem:$0xC080] =	vst v63  }
0x2b: {  	v3 =	vld [tilespmem:$0x10];
	_ =	sdelay $0x4  }
0x2c: {  	v61 =	vshrl.u32 v3, $0x3  }
0x2d: {  	v4 =	vmul.u32 $0x30, v61  }
0x2e: {  	v3 =	vand.u32 $0x7, v3  }
0x2f: {  	v3 =	vor.u32 v3, v4  }
0x30: {  	v4 =	vperm.xlane v3, v0;
	_ =	sdelay $0x1  }
0x31: {  	v4 =	vadd.s32 v1, v4;
	_ =	sdelay $0x3  }
0x32: {  	v3 =	vperm.xlane v3, v2  }
0x33: {  	[tilespmem:s13], [sflag:$0x1] =	stream.indirect_vreg.gather [hbm4b:s3+s2], $0x80, v4, vm0, $0xb8;
	[tilespmem:$0xC080] =	vst v63  }
0x34: {  	v3 =	vadd.s32 v1, v3  }
0x35: {  	[tilespmem:s14], [sflag:$0x1] =	stream.indirect_vreg.gather [hbm4b:s4+s2], $0x80, v4, vm0, $0xb8;
	[tilespmem:$0xC080] =	vst v63  }
0x36: {  	_ = 	snop  }
0x37: {  	[tilespmem:s15], [sflag:$0x1] =	stream.indirect_vreg.gather [hbm4b:s5+s2], $0x80, v4, vm0, $0xb8;
	[tilespmem:$0xC080] =	vst v63  }
0x38: {  	_ = 	snop  }
0x39: {  	[tilespmem:s16], [sflag:$0x1] =	stream.indirect_vreg.gather [hbm4b:s3+s2], $0x80, v3, vm0, $0xb8;
	[tilespmem:$0xC080] =	vst v63  }
0x3a: {  	_ = 	snop  }
0x3b: {  	[tilespmem:s17], [sflag:$0x1] =	stream.indirect_vreg.gather [hbm4b:s4+s2], $0x80, v3, vm0, $0xb8;
	[tilespmem:$0xC080] =	vst v63  }
0x3c: {  	_ = 	snop  }
0x3d: {  	[tilespmem:s18], [sflag:$0x1] =	stream.indirect_vreg.gather [hbm4b:s5+s2], $0x80, v3, vm0, $0xb8;
	[tilespmem:$0xC080] =	vst v63  }
0x3e: {  	v3 =	vld [tilespmem:$0x20];
	_ =	sdelay $0x4  }
0x3f: {  	v62 =	vshrl.u32 v3, $0x3  }
0x40: {  	v4 =	vmul.u32 $0x30, v62  }
0x41: {  	v3 =	vand.u32 $0x7, v3  }
0x42: {  	v3 =	vor.u32 v3, v4  }
0x43: {  	v4 =	vperm.xlane v3, v0;
	_ =	sdelay $0x1  }
0x44: {  	v4 =	vadd.s32 v1, v4;
	_ =	sdelay $0x3  }
0x45: {  	v3 =	vperm.xlane v3, v2  }
0x46: {  	[tilespmem:s19], [sflag:$0x1] =	stream.indirect_vreg.gather [hbm4b:s3+s2], $0x80, v4, vm0, $0xb8;
	[tilespmem:$0xC080] =	vst v63  }
0x47: {  	v3 =	vadd.s32 v1, v3  }
0x48: {  	[tilespmem:s20], [sflag:$0x1] =	stream.indirect_vreg.gather [hbm4b:s4+s2], $0x80, v4, vm0, $0xb8;
	[tilespmem:$0xC080] =	vst v63  }
0x49: {  	_ = 	snop  }
0x4a: {  	[tilespmem:s21], [sflag:$0x1] =	stream.indirect_vreg.gather [hbm4b:s5+s2], $0x80, v4, vm0, $0xb8;
	[tilespmem:$0xC080] =	vst v63  }
0x4b: {  	_ = 	snop  }
0x4c: {  	[tilespmem:s22], [sflag:$0x1] =	stream.indirect_vreg.gather [hbm4b:s3+s2], $0x80, v3, vm0, $0xb8;
	[tilespmem:$0xC080] =	vst v63  }
0x4d: {  	_ = 	snop  }
0x4e: {  	[tilespmem:s23], [sflag:$0x1] =	stream.indirect_vreg.gather [hbm4b:s4+s2], $0x80, v3, vm0, $0xb8;
	[tilespmem:$0xC080] =	vst v63  }
0x4f: {  	_ = 	snop  }
0x50: {  	[tilespmem:s24], [sflag:$0x1] =	stream.indirect_vreg.gather [hbm4b:s5+s2], $0x80, v3, vm0, $0xb8;
	[tilespmem:$0xC080] =	vst v63  }
0x51: {  	v3 =	vld [tilespmem:$0x30];
	_ =	sdelay $0x4  }
0x52: {  	v63 =	vshrl.u32 v3, $0x3  }
0x53: {  	v4 =	vmul.u32 $0x30, v63  }
0x54: {  	v3 =	vand.u32 $0x7, v3  }
0x55: {  	v3 =	vor.u32 v3, v4  }
0x56: {  	v4 =	vperm.xlane v3, v0;
	_ =	sdelay $0x1  }
0x57: {  	v4 =	vadd.s32 v1, v4;
	_ =	sdelay $0x3  }
0x58: {  	v3 =	vperm.xlane v3, v2  }
0x59: {  	[tilespmem:s25], [sflag:$0x1] =	stream.indirect_vreg.gather [hbm4b:s3+s2], $0x80, v4, vm0, $0xb8;
	[tilespmem:$0xC080] =	vst v63  }
0x5a: {  	v3 =	vadd.s32 v1, v3  }
0x5b: {  	[tilespmem:s26], [sflag:$0x1] =	stream.indirect_vreg.gather [hbm4b:s4+s2], $0x80, v4, vm0, $0xb8;
	[tilespmem:$0xC080] =	vst v63  }
0x5c: {  	_ = 	snop  }
0x5d: {  	[tilespmem:s28], [sflag:$0x1] =	stream.indirect_vreg.gather [hbm4b:s5+s2], $0x80, v4, vm0, $0xb8;
	[tilespmem:$0xC080] =	vst v63  }
0x5e: {  	_ = 	snop  }
0x5f: {  	[tilespmem:s29], [sflag:$0x1] =	stream.indirect_vreg.gather [hbm4b:s3+s2], $0x80, v3, vm0, $0xb8;
	[tilespmem:$0xC080] =	vst v63  }
0x60: {  	_ = 	snop  }
0x61: {  	[tilespmem:s30], [sflag:$0x1] =	stream.indirect_vreg.gather [hbm4b:s4+s2], $0x80, v3, vm0, $0xb8;
	[tilespmem:$0xC080] =	vst v63  }
0x62: {  	_ = 	snop  }
0x63: {  	[tilespmem:s31], [sflag:$0x1] =	stream.indirect_vreg.gather [hbm4b:s5+s2], $0x80, v3, vm0, $0xb8;
	[tilespmem:$0xC080] =	vst v63  }
0x64: {  	_ =	swait.ge [sflag:s0], $0xC000  }
0x65: {  	p0 =	sne.s32 s6, $0x1;
	[sflag:s0] =	ssyncset.done $0x0  }
.Ltmp0:
0x66: {  	s1 =	rddreg [dreg:$0x4];
	[sflag:s0] =	ssyncadd.s32 $0xFFFF4000;
	(pc) =	sbr.rel @p0 .LBB2_1-.Ltmp0, $4  }
0x67: {  	[hbm4b:s1+s2] =	stream.linear.scatter [tilespmem:s8], [sflag:$0x2], $0xC000, $0x38;
	[tilespmem:$0xC080] =	vst v63  }
0x68: {  	_ =	swait.ge [sflag:s7], $0xC000  }
0x69: {  	[sflag:s7] =	ssyncset.done $0x0  }
0x6a: {  	s6 =	sadd.s32 $0xFFFFFFFF, s6;
	[sflag:s7] =	ssyncadd.s32 $0xFFFF4000  }
0x6b: {  	_ =	sfence.sel $0x180000  }
0x6c: {  	[bflag:$0x0] =	sbarrier.arrive $0xFFFF  }
0x6d: {  	_ =	strace $0x90000047  }
0x6e: {  	s0 =	stileid.u32;
	[bflag:$0x2] =	sbarrier.arrive $0xFFFF  }
0x6f: {  	p0 =	sne.s32 s0, $0x0;
	s0 =	rddreg [dreg:$0x2]  }
0x70: {  	s0 =	sadd.s32 @!p0 $0x100000, s0  }
0x71: {  	[sflag:s0] =	ssyncadd.tile.s32 @!p0 $0x1;
	_ =	shalt  }
.Lfunc_end2:
_tile_overlayer_lowered:
.L_overlay_start_2:
0x72: {  	(tag) =	ssettag $0x2  }
0x73: {  	s0 =	rddreg [dreg:$0x0];
	s2 =	stileid.u32  }
0x74: {  	s1 =	rddreg [dreg:$0x1];
	p0 =	sne.s32 s2, $0x0  }
0x75: {  	s3 =	rddreg [dreg:$0x2];
	[bflag:$0x3] =	sbarrier.arrive $0xFFFF;
	s2 =	simm.s32 @!p0 $0x1C02  }
0x76: {  	[timem:s3], [sflag:s2] =	dma.local @!p0 [hbm:s0], s1  }
0x77: {  	s0 =	simm.s32 @!p0 $0x2  }
0x78: {  	_ =	swait.ge @!p0 [sflag:s0], s1  }
0x79: {  	s1 =	ssub.s32 @!p0 $0x0, s1;
	[sflag:s0] =	ssyncset.done @!p0 $0x0  }
0x7a: {  	[sflag:s0] =	ssyncadd.s32 @!p0 s1  }
0x7b: {  	[bflag:$0x3] =	sbarrier.arrive $0xFFFF  }
0x7c: {  	_ =	shalt  }

</sc_bundles>
